<compile_context>
chip_gen: v7x
topology: tpu7x:2x2x1
jax: 0.10.2.dev20260603
libtpu: 0.0.44.dev20260713+nightly
codegen_flags: <defaults>
</compile_context>

<pallas_src>
import functools

import jax
import jax.numpy as jnp
from jax import lax
from jax.experimental import pallas as pl
from jax.experimental.pallas import tpu as pltpu
from jax.experimental.pallas import tpu_sc as plsc

N = 10000
E = 320000
NFEAT = 128
NHID = 128
NCLASS = 64

K = 125
NROWS = E // K
CPW = NROWS // 32
DW = 16
NWIND = CPW // DW
NPAD = 10112
STRIPE = NPAD // 16

_MESH = plsc.VectorSubcoreMesh(core_axis_name="c", subcore_axis_name="s")




def _deg_partials(dst2d, ones_blk, zeros_blk):

  @functools.partial(
      pl.kernel,
      out_type=jax.ShapeDtypeStruct((2, NPAD, 128), jnp.float32),
      mesh=_MESH,
      scratch_types=[
          pltpu.VMEM((CPW, K), jnp.int32),
          pltpu.VMEM((K, 128), jnp.float32),
          pltpu.VMEM_SHARED((NPAD, 128), jnp.float32),
      ],
  )
  def deg_kernel(dst_hbm, ones_hbm, zeros_hbm, out_hbm, dst_v, ones_v, acc_sh):
    cid = lax.axis_index("c")
    sid = lax.axis_index("s")
    row0 = (cid * 16 + sid) * CPW
    pltpu.sync_copy(dst_hbm.at[pl.ds(row0, CPW)], dst_v)
    pltpu.sync_copy(ones_hbm, ones_v)
    stripe = sid * STRIPE
    pltpu.sync_copy(zeros_hbm, acc_sh.at[pl.ds(stripe, STRIPE)])
    plsc.subcore_barrier()

    @pl.loop(0, CPW)
    def _(j):
      pltpu.sync_copy(ones_v, acc_sh.at[dst_v.at[j]], add=True)

    plsc.subcore_barrier()
    pltpu.sync_copy(acc_sh.at[pl.ds(stripe, STRIPE)],
                    out_hbm.at[cid, pl.ds(stripe, STRIPE)])

  return deg_kernel(dst2d, ones_blk, zeros_blk)


def _make_agg(D):

  @functools.partial(
      pl.kernel,
      out_type=jax.ShapeDtypeStruct((2, NPAD, D), jnp.float32),
      mesh=_MESH,
      scratch_types=[
          pltpu.VMEM((CPW, K), jnp.int32),
          pltpu.VMEM((DW, K), jnp.int32),
          pltpu.VMEM((K, D), jnp.float32),
          pltpu.VMEM((K, D), jnp.float32),
          pltpu.VMEM_SHARED((NPAD, D), jnp.float32),
          pltpu.SemaphoreType.DMA,
          pltpu.SemaphoreType.DMA,
      ],
  )
  def agg_kernel(hs_hbm, src_hbm, dst_hbm, zeros_hbm, out_hbm,
                 src_v, dst_v, buf0, buf1, acc_sh, sem0, sem1):
    cid = lax.axis_index("c")
    sid = lax.axis_index("s")
    row0 = (cid * 16 + sid) * CPW
    pltpu.sync_copy(src_hbm.at[pl.ds(row0, CPW)], src_v)
    stripe = sid * STRIPE
    pltpu.sync_copy(zeros_hbm, acc_sh.at[pl.ds(stripe, STRIPE)])
    plsc.subcore_barrier()

    pltpu.async_copy(hs_hbm.at[src_v.at[0]], buf0, sem0)
    pltpu.async_copy(hs_hbm.at[src_v.at[1]], buf1, sem1)

    @pl.loop(0, NWIND)
    def _(w):
      pltpu.sync_copy(dst_hbm.at[pl.ds(row0 + w * DW, DW)], dst_v)

      @pl.loop(0, DW // 2)
      def _(p):
        j = w * DW + 2 * p
        pltpu.make_async_copy(hs_hbm.at[src_v.at[j]], buf0, sem0).wait()
        pltpu.sync_copy(buf0, acc_sh.at[dst_v.at[2 * p]], add=True)

        @pl.when(j + 2 < CPW)
        def _():
          pltpu.async_copy(hs_hbm.at[src_v.at[j + 2]], buf0, sem0)

        pltpu.make_async_copy(hs_hbm.at[src_v.at[j + 1]], buf1, sem1).wait()
        pltpu.sync_copy(buf1, acc_sh.at[dst_v.at[2 * p + 1]], add=True)

        @pl.when(j + 3 < CPW)
        def _():
          pltpu.async_copy(hs_hbm.at[src_v.at[j + 3]], buf1, sem1)

    plsc.subcore_barrier()
    pltpu.sync_copy(acc_sh.at[pl.ds(stripe, STRIPE)],
                    out_hbm.at[cid, pl.ds(stripe, STRIPE)])

  return agg_kernel


_agg = _make_agg(NHID)



_R = 2000


def _tc_layer1(x, W1, degp):

  def body(x_ref, w_ref, deg_ref, hs_ref, dinv_ref):
    h = jnp.dot(x_ref[...], w_ref[...], preferred_element_type=jnp.float32)
    deg = deg_ref[0, :, 0:1] + deg_ref[1, :, 0:1] + 1.0
    dinv = lax.rsqrt(deg)
    hs_ref[...] = h * dinv
    dinv_ref[...] = jnp.broadcast_to(dinv, dinv_ref.shape)

  return pl.pallas_call(
      body,
      grid=(N // _R,),
      in_specs=[pl.BlockSpec((_R, NFEAT), lambda i: (i, 0)),
                pl.BlockSpec((NFEAT, NHID), lambda i: (0, 0)),
                pl.BlockSpec((2, _R, 128), lambda i: (0, i, 0))],
      out_specs=[pl.BlockSpec((_R, NHID), lambda i: (i, 0)),
                 pl.BlockSpec((_R, NHID), lambda i: (i, 0))],
      out_shape=[jax.ShapeDtypeStruct((N, NHID), jnp.float32),
                 jax.ShapeDtypeStruct((N, NHID), jnp.float32)],
  )(x, W1, degp)


def _tc_layer2(acc1, hs1, dinvb, b1, W2):

  def body(acc_ref, hs_ref, dinv_ref, b_ref, w_ref, o_ref):
    s = acc_ref[0] + acc_ref[1] + hs_ref[...]
    z = jnp.maximum(dinv_ref[...] * s + b_ref[...], 0.0)
    h2 = jnp.dot(z, w_ref[...], preferred_element_type=jnp.float32)
    o_ref[...] = jnp.concatenate(
        [h2 * dinv_ref[:, :NCLASS], jnp.zeros_like(h2)], axis=1)

  return pl.pallas_call(
      body,
      grid=(N // _R,),
      in_specs=[pl.BlockSpec((2, _R, NHID), lambda i: (0, i, 0)),
                pl.BlockSpec((_R, NHID), lambda i: (i, 0)),
                pl.BlockSpec((_R, NHID), lambda i: (i, 0)),
                pl.BlockSpec((1, NHID), lambda i: (0, 0)),
                pl.BlockSpec((NHID, NCLASS), lambda i: (0, 0))],
      out_specs=pl.BlockSpec((_R, NHID), lambda i: (i, 0)),
      out_shape=jax.ShapeDtypeStruct((N, NHID), jnp.float32),
  )(acc1, hs1, dinvb, b1, W2)


def _tc_out(acc2, hs2, dinvb, b2):

  def body(acc_ref, hs_ref, dinv_ref, b_ref, o_ref):
    t = dinv_ref[:, :NCLASS] * (
        acc_ref[0, :, :NCLASS] + acc_ref[1, :, :NCLASS] + hs_ref[:, :NCLASS])
    t = t + b_ref[...]
    m = jnp.max(t, axis=1, keepdims=True)
    e = t - m
    lse = jnp.log(jnp.sum(jnp.exp(e), axis=1, keepdims=True))
    o_ref[...] = e - lse

  return pl.pallas_call(
      body,
      grid=(N // _R,),
      in_specs=[pl.BlockSpec((2, _R, NHID), lambda i: (0, i, 0)),
                pl.BlockSpec((_R, NHID), lambda i: (i, 0)),
                pl.BlockSpec((_R, NHID), lambda i: (i, 0)),
                pl.BlockSpec((1, NCLASS), lambda i: (0, 0))],
      out_specs=pl.BlockSpec((_R, NCLASS), lambda i: (i, 0)),
      out_shape=jax.ShapeDtypeStruct((N, NCLASS), jnp.float32),
  )(acc2, hs2, dinvb, b2)




def kernel(x, edge_index, W1, b1, W2, b2):
  src2d = edge_index[0].reshape(NROWS, K)
  dst2d = edge_index[1].reshape(NROWS, K)
  ones_blk = jnp.ones((K, 128), jnp.float32)
  zeros16 = jnp.zeros((STRIPE, 128), jnp.float32)
  zeros128 = jnp.zeros((STRIPE, NHID), jnp.float32)

  degp = _deg_partials(dst2d, ones_blk, zeros16)
  hs1, dinvb = _tc_layer1(x, W1, degp)
  acc1 = _agg(hs1, src2d, dst2d, zeros128)
  hs2 = _tc_layer2(acc1, hs1, dinvb, b1.reshape(1, NHID), W2)
  acc2 = _agg(hs2, src2d, dst2d, zeros128)
  return _tc_out(acc2, hs2, dinvb, b2.reshape(1, NCLASS))

# --- scband reference (transcript-rebuilt; emitter-appended) ---
"""Pipeline reference for scband-gcn-27693949125272 (READ-ONLY COPY).

The authoritative reference and input builder live on the scoring server;
editing this copy changes nothing except your own understanding.
"""

import jax, jax.numpy as jnp
import numpy as np

N = 10000
E = 320000
NFEAT = 128
NHID = 128
NCLASS = 64


def setup_inputs(seed: int = 0) -> dict:
    key = jax.random.key(seed)
    k1, k2, k3, k4 = jax.random.split(key, 4)
    x = jax.random.normal(k1, (N, NFEAT), dtype=jnp.float32)
    edge_index = jax.random.randint(k2, (2, E), 0, N, dtype=jnp.int32)
    W1 = jax.random.normal(k3, (NFEAT, NHID), dtype=jnp.float32) * (1.0 / np.sqrt(NFEAT))
    b1 = jnp.zeros((NHID,), dtype=jnp.float32)
    W2 = jax.random.normal(k4, (NHID, NCLASS), dtype=jnp.float32) * (1.0 / np.sqrt(NHID))
    b2 = jnp.zeros((NCLASS,), dtype=jnp.float32)
    return {"x": x, "edge_index": edge_index, "W1": W1, "b1": b1, "W2": W2, "b2": b2}


def _gcn_conv(x, edge_index, W, b):
    # Faithful PyG GCNConv: add self-loops, symmetric deg^{-1/2} normalization,
    # linear transform, scatter-add aggregation at destination nodes, plus bias.
    n = x.shape[0]
    loop = jnp.arange(n, dtype=edge_index.dtype)
    src = jnp.concatenate([edge_index[0], loop])
    dst = jnp.concatenate([edge_index[1], loop])
    ew = jnp.ones(src.shape[0], dtype=x.dtype)
    deg = jax.ops.segment_sum(ew, dst, num_segments=n)
    dinv = jnp.where(deg > 0, deg ** -0.5, 0.0)
    norm = dinv[src] * dinv[dst]
    h = x @ W
    msg = h[src] * norm[:, None]
    out = jax.ops.segment_sum(msg, dst, num_segments=n)
    return out + b


def reference(x, edge_index, W1, b1, W2, b2):
    h = _gcn_conv(x, edge_index, W1, b1)
    h = jax.nn.relu(h)
    # dropout is identity in eval mode (training=False)
    h = _gcn_conv(h, edge_index, W2, b2)
    return jax.nn.log_softmax(h, axis=1)

if __name__ == "__main__":
    import jax
    _d = setup_inputs()
    print(jax.jit(kernel)(*tuple(_d.values())))

</pallas_src>

<mosaic_0001>
#map = affine_map<(d0, d1) -> (0, 0)>
#map1 = affine_map<(d0, d1) -> (0, 0, 0)>
module attributes {stable_mosaic.version = 14 : i64} {
  func.func @agg_kernel(%arg0: i32, %arg1: i32, %arg2: memref<10000x128xf32, #tpu.memory_space<hbm>>, %arg3: memref<2560x125xi32, #tpu.memory_space<hbm>>, %arg4: memref<2560x125xi32, #tpu.memory_space<hbm>>, %arg5: memref<632x128xf32, #tpu.memory_space<hbm>>, %arg6: memref<2x10112x128xf32, #tpu.memory_space<hbm>>, %arg7: memref<80x125xi32, #tpu.memory_space<vmem>>, %arg8: memref<16x125xi32, #tpu.memory_space<vmem>>, %arg9: memref<125x128xf32, #tpu.memory_space<vmem>>, %arg10: memref<125x128xf32, #tpu.memory_space<vmem>>, %arg11: memref<10112x128xf32, #tpu.memory_space<vmem_shared>>, %arg12: memref<!tpu.dma_semaphore, #tpu.memory_space<semaphore_mem>>, %arg13: memref<!tpu.dma_semaphore, #tpu.memory_space<semaphore_mem>>) attributes {dimension_semantics = [#tpu.dimension_semantics<core_parallel>, #tpu.dimension_semantics<subcore_parallel>], iteration_bounds = array<i64: 2, 16>, scalar_prefetch = 0 : i64, scratch_operands = 7 : i64, tpu.core_type = #tpu.core_type<sc_vector_subcore>, window_params = [{transform_indices = #map}, {transform_indices = #map}, {transform_indices = #map}, {transform_indices = #map}, {transform_indices = #map1}]} {
    %mul3A = arith.constant 16 : i32
    %mul3A_0 = arith.muli %arg0, %mul3A : i32
    %add3A = arith.addi %mul3A_0, %arg1 : i32
    %mul3A_1 = arith.constant 80 : i32
    %mul3A_2 = arith.muli %add3A, %mul3A_1 : i32
    "tpu.region"() ({
      %run_scoped3A = tpu.sem_alloc : memref<!tpu.dma_semaphore, #tpu.memory_space<semaphore_mem>>
      %dma_start3A_23 = arith.constant 0 : i32
      %dma_start3A_24 = tpu.memref_slice %arg3[%mul3A_2, %dma_start3A_23] : memref<2560x125xi32, #tpu.memory_space<hbm>> -> memref<80x125xi32, #tpu.memory_space<hbm>>
      %dma_start3A_25 = arith.constant 0 : i32
      %dma_start3A_26 = tpu.memref_slice %arg3[%mul3A_2, %dma_start3A_25] : memref<2560x125xi32, #tpu.memory_space<hbm>> -> memref<80x125xi32, #tpu.memory_space<hbm>>
      tpu.enqueue_dma source(%dma_start3A_26 : memref<80x125xi32, #tpu.memory_space<hbm>>) target(%arg7 : memref<80x125xi32, #tpu.memory_space<vmem>>) target_semaphore(%run_scoped3A : memref<!tpu.dma_semaphore, #tpu.memory_space<semaphore_mem>>)
      %dma_wait3A = arith.constant 0 : i32
      %dma_wait3A_27 = tpu.memref_slice %arg3[%mul3A_2, %dma_wait3A] : memref<2560x125xi32, #tpu.memory_space<hbm>> -> memref<80x125xi32, #tpu.memory_space<hbm>>
      %dma_wait3A_28 = arith.constant 0 : i32
      %dma_wait3A_29 = tpu.memref_slice %arg3[%mul3A_2, %dma_wait3A_28] : memref<2560x125xi32, #tpu.memory_space<hbm>> -> memref<80x125xi32, #tpu.memory_space<hbm>>
      tpu.wait_dma2 semaphore(%run_scoped3A : memref<!tpu.dma_semaphore, #tpu.memory_space<semaphore_mem>>) src(%dma_wait3A_29 : memref<80x125xi32, #tpu.memory_space<hbm>>) dst(%arg7 : memref<80x125xi32, #tpu.memory_space<vmem>>)
      tpu.yield
    }) : () -> ()
    %mul3A_3 = arith.constant 632 : i32
    %mul3A_4 = arith.muli %arg1, %mul3A_3 : i32
    "tpu.region"() ({
      %run_scoped3A = tpu.sem_alloc : memref<!tpu.dma_semaphore, #tpu.memory_space<semaphore_mem>>
      %dma_start3A_23 = arith.constant 0 : i32
      %dma_start3A_24 = tpu.memref_slice %arg11[%mul3A_4, %dma_start3A_23] : memref<10112x128xf32, #tpu.memory_space<vmem_shared>> -> memref<632x128xf32, #tpu.memory_space<vmem_shared>>
      tpu.enqueue_dma source(%arg5 : memref<632x128xf32, #tpu.memory_space<hbm>>) target(%dma_start3A_24 : memref<632x128xf32, #tpu.memory_space<vmem_shared>>) target_semaphore(%run_scoped3A : memref<!tpu.dma_semaphore, #tpu.memory_space<semaphore_mem>>)
      %dma_wait3A = arith.constant 0 : i32
      %dma_wait3A_25 = tpu.memref_slice %arg11[%mul3A_4, %dma_wait3A] : memref<10112x128xf32, #tpu.memory_space<vmem_shared>> -> memref<632x128xf32, #tpu.memory_space<vmem_shared>>
      tpu.wait_dma2 semaphore(%run_scoped3A : memref<!tpu.dma_semaphore, #tpu.memory_space<semaphore_mem>>) src(%arg5 : memref<632x128xf32, #tpu.memory_space<hbm>>) dst(%dma_wait3A_25 : memref<632x128xf32, #tpu.memory_space<vmem_shared>>)
      tpu.yield
    }) : () -> ()
    %barrier3A = arith.constant 0 : index
    tpu.barrier barrier_id(%barrier3A)
    %dma_start3A = arith.constant 0 : i32
    %dma_start3A_5 = arith.constant 0 : i32
    %dma_start3A_6 = tpu.memref_slice %arg7[%dma_start3A, %dma_start3A_5] : memref<80x125xi32, #tpu.memory_space<vmem>> -> memref<1x125xi32, #tpu.memory_space<vmem>>
    %dma_start3A_7 = tpu.memref_squeeze %dma_start3A_6 : memref<1x125xi32, #tpu.memory_space<vmem>> -> memref<125xi32, #tpu.memory_space<vmem>>
    %dma_start3A_8 = arith.constant 0 : i32
    %dma_start3A_9 = arith.constant 0 : i32
    %dma_start3A_10 = tpu.memref_slice %arg2[%dma_start3A_8, %dma_start3A_9] : memref<10000x128xf32, #tpu.memory_space<hbm>> -> memref<10000x128xf32, #tpu.memory_space<hbm>>
    tpu.enqueue_indirect_dma source(%dma_start3A_10 : memref<10000x128xf32, #tpu.memory_space<hbm>>) target(%arg9 : memref<125x128xf32, #tpu.memory_space<vmem>>) offsets(%dma_start3A_7 : memref<125xi32, #tpu.memory_space<vmem>>) semaphore(%arg12 : memref<!tpu.dma_semaphore, #tpu.memory_space<semaphore_mem>>)
    %dma_start3A_11 = arith.constant 1 : i32
    %dma_start3A_12 = arith.constant 0 : i32
    %dma_start3A_13 = tpu.memref_slice %arg7[%dma_start3A_11, %dma_start3A_12] : memref<80x125xi32, #tpu.memory_space<vmem>> -> memref<1x125xi32, #tpu.memory_space<vmem>>
    %dma_start3A_14 = tpu.memref_squeeze %dma_start3A_13 : memref<1x125xi32, #tpu.memory_space<vmem>> -> memref<125xi32, #tpu.memory_space<vmem>>
    %dma_start3A_15 = arith.constant 0 : i32
    %dma_start3A_16 = arith.constant 0 : i32
    %dma_start3A_17 = tpu.memref_slice %arg2[%dma_start3A_15, %dma_start3A_16] : memref<10000x128xf32, #tpu.memory_space<hbm>> -> memref<10000x128xf32, #tpu.memory_space<hbm>>
    tpu.enqueue_indirect_dma source(%dma_start3A_17 : memref<10000x128xf32, #tpu.memory_space<hbm>>) target(%arg10 : memref<125x128xf32, #tpu.memory_space<vmem>>) offsets(%dma_start3A_14 : memref<125xi32, #tpu.memory_space<vmem>>) semaphore(%arg13 : memref<!tpu.dma_semaphore, #tpu.memory_space<semaphore_mem>>)
    %scan3A = arith.constant 0 : i32
    %scan3A_18 = arith.constant 5 : i32
    %scan3A_19 = arith.addi %scan3A, %scan3A_18 : i32
    %scan3A_20 = arith.constant 1 : i32
    scf.for %scan3A_23 = %scan3A to %scan3A_19 step %scan3A_20  : i32 {
      %mul3A_24 = arith.constant 1 : i32
      %mul3A_25 = arith.muli %scan3A_23, %mul3A_24 : i32
      %add3A_26 = arith.constant 0 : i32
      %add3A_27 = arith.addi %add3A_26, %mul3A_25 : i32
      %mul3A_28 = arith.constant 16 : i32
      %mul3A_29 = arith.muli %add3A_27, %mul3A_28 : i32
      %add3A_30 = arith.addi %mul3A_2, %mul3A_29 : i32
      "tpu.region"() ({
        %run_scoped3A = tpu.sem_alloc : memref<!tpu.dma_semaphore, #tpu.memory_space<semaphore_mem>>
        %dma_start3A_36 = arith.constant 0 : i32
        %dma_start3A_37 = tpu.memref_slice %arg4[%add3A_30, %dma_start3A_36] : memref<2560x125xi32, #tpu.memory_space<hbm>> -> memref<16x125xi32, #tpu.memory_space<hbm>>
        %dma_start3A_38 = arith.constant 0 : i32
        %dma_start3A_39 = tpu.memref_slice %arg4[%add3A_30, %dma_start3A_38] : memref<2560x125xi32, #tpu.memory_space<hbm>> -> memref<16x125xi32, #tpu.memory_space<hbm>>
        tpu.enqueue_dma source(%dma_start3A_39 : memref<16x125xi32, #tpu.memory_space<hbm>>) target(%arg8 : memref<16x125xi32, #tpu.memory_space<vmem>>) target_semaphore(%run_scoped3A : memref<!tpu.dma_semaphore, #tpu.memory_space<semaphore_mem>>)
        %dma_wait3A = arith.constant 0 : i32
        %dma_wait3A_40 = tpu.memref_slice %arg4[%add3A_30, %dma_wait3A] : memref<2560x125xi32, #tpu.memory_space<hbm>> -> memref<16x125xi32, #tpu.memory_space<hbm>>
        %dma_wait3A_41 = arith.constant 0 : i32
        %dma_wait3A_42 = tpu.memref_slice %arg4[%add3A_30, %dma_wait3A_41] : memref<2560x125xi32, #tpu.memory_space<hbm>> -> memref<16x125xi32, #tpu.memory_space<hbm>>
        tpu.wait_dma2 semaphore(%run_scoped3A : memref<!tpu.dma_semaphore, #tpu.memory_space<semaphore_mem>>) src(%dma_wait3A_42 : memref<16x125xi32, #tpu.memory_space<hbm>>) dst(%arg8 : memref<16x125xi32, #tpu.memory_space<vmem>>)
        tpu.yield
      }) : () -> ()
      %scan3A_31 = arith.constant 0 : i32
      %scan3A_32 = arith.constant 8 : i32
      %scan3A_33 = arith.addi %scan3A_31, %scan3A_32 : i32
      %scan3A_34 = arith.constant 1 : i32
      scf.for %scan3A_36 = %scan3A_31 to %scan3A_33 step %scan3A_34  : i32 {
        %mul3A_37 = arith.constant 1 : i32
        %mul3A_38 = arith.muli %scan3A_36, %mul3A_37 : i32
        %add3A_39 = arith.constant 0 : i32
        %add3A_40 = arith.addi %add3A_39, %mul3A_38 : i32
        %mul3A_41 = arith.constant 16 : i32
        %mul3A_42 = arith.muli %add3A_27, %mul3A_41 : i32
        %mul3A_43 = arith.constant 2 : i32
        %mul3A_44 = arith.muli %mul3A_43, %add3A_40 : i32
        %add3A_45 = arith.addi %mul3A_42, %mul3A_44 : i32
        %dma_wait3A = arith.constant 0 : i32
        %dma_wait3A_46 = tpu.memref_slice %arg7[%add3A_45, %dma_wait3A] : memref<80x125xi32, #tpu.memory_space<vmem>> -> memref<1x125xi32, #tpu.memory_space<vmem>>
        %dma_wait3A_47 = tpu.memref_squeeze %dma_wait3A_46 : memref<1x125xi32, #tpu.memory_space<vmem>> -> memref<125xi32, #tpu.memory_space<vmem>>
        %dma_wait3A_48 = arith.constant 0 : i32
        %dma_wait3A_49 = arith.constant 0 : i32
        %dma_wait3A_50 = tpu.memref_slice %arg2[%dma_wait3A_48, %dma_wait3A_49] : memref<10000x128xf32, #tpu.memory_space<hbm>> -> memref<10000x128xf32, #tpu.memory_space<hbm>>
        tpu.wait_indirect_dma semaphore(%arg12 : memref<!tpu.dma_semaphore, #tpu.memory_space<semaphore_mem>>) src(%dma_wait3A_50 : memref<10000x128xf32, #tpu.memory_space<hbm>>) dst(%arg9 : memref<125x128xf32, #tpu.memory_space<vmem>>)
        %mul3A_51 = arith.constant 2 : i32
        %mul3A_52 = arith.muli %mul3A_51, %add3A_40 : i32
        "tpu.region"() ({
          %run_scoped3A = tpu.sem_alloc : memref<!tpu.dma_semaphore, #tpu.memory_space<semaphore_mem>>
          %dma_start3A_76 = arith.constant 0 : i32
          %dma_start3A_77 = tpu.memref_slice %arg8[%mul3A_52, %dma_start3A_76] : memref<16x125xi32, #tpu.memory_space<vmem>> -> memref<1x125xi32, #tpu.memory_space<vmem>>
          %dma_start3A_78 = tpu.memref_squeeze %dma_start3A_77 : memref<1x125xi32, #tpu.memory_space<vmem>> -> memref<125xi32, #tpu.memory_space<vmem>>
          %dma_start3A_79 = arith.constant 0 : i32
          %dma_start3A_80 = arith.constant 0 : i32
          %dma_start3A_81 = tpu.memref_slice %arg11[%dma_start3A_79, %dma_start3A_80] : memref<10112x128xf32, #tpu.memory_space<vmem_shared>> -> memref<10112x128xf32, #tpu.memory_space<vmem_shared>>
          tpu.enqueue_indirect_dma source(%arg9 : memref<125x128xf32, #tpu.memory_space<vmem>>) target(%dma_start3A_81 : memref<10112x128xf32, #tpu.memory_space<vmem_shared>>) offsets(%dma_start3A_78 : memref<125xi32, #tpu.memory_space<vmem>>) semaphore(%run_scoped3A : memref<!tpu.dma_semaphore, #tpu.memory_space<semaphore_mem>>) {add = true}
          %dma_wait3A_82 = arith.constant 0 : i32
          %dma_wait3A_83 = tpu.memref_slice %arg8[%mul3A_52, %dma_wait3A_82] : memref<16x125xi32, #tpu.memory_space<vmem>> -> memref<1x125xi32, #tpu.memory_space<vmem>>
          %dma_wait3A_84 = tpu.memref_squeeze %dma_wait3A_83 : memref<1x125xi32, #tpu.memory_space<vmem>> -> memref<125xi32, #tpu.memory_space<vmem>>
          %dma_wait3A_85 = arith.constant 0 : i32
          %dma_wait3A_86 = arith.constant 0 : i32
          %dma_wait3A_87 = tpu.memref_slice %arg11[%dma_wait3A_85, %dma_wait3A_86] : memref<10112x128xf32, #tpu.memory_space<vmem_shared>> -> memref<10112x128xf32, #tpu.memory_space<vmem_shared>>
          tpu.wait_indirect_dma semaphore(%run_scoped3A : memref<!tpu.dma_semaphore, #tpu.memory_space<semaphore_mem>>) src(%arg9 : memref<125x128xf32, #tpu.memory_space<vmem>>) dst(%dma_wait3A_87 : memref<10112x128xf32, #tpu.memory_space<vmem_shared>>)
          tpu.yield
        }) : () -> ()
        %add3A_53 = arith.constant 2 : i32
        %add3A_54 = arith.addi %add3A_45, %add3A_53 : i32
        %lt3A = arith.constant 80 : i32
        %lt3A_55 = arith.cmpi slt, %add3A_54, %lt3A : i32
        %convert_element_type3A = arith.extui %lt3A_55 : i1 to i32
        %cond3A = arith.constant 0 : i32
        %cond3A_56 = arith.cmpi ne, %convert_element_type3A, %cond3A : i32
        scf.if %cond3A_56 {
          %add3A_76 = arith.constant 2 : i32
          %add3A_77 = arith.addi %add3A_45, %add3A_76 : i32
          %dma_start3A_78 = arith.constant 0 : i32
          %dma_start3A_79 = tpu.memref_slice %arg7[%add3A_77, %dma_start3A_78] : memref<80x125xi32, #tpu.memory_space<vmem>> -> memref<1x125xi32, #tpu.memory_space<vmem>>
          %dma_start3A_80 = tpu.memref_squeeze %dma_start3A_79 : memref<1x125xi32, #tpu.memory_space<vmem>> -> memref<125xi32, #tpu.memory_space<vmem>>
          %dma_start3A_81 = arith.constant 0 : i32
          %dma_start3A_82 = arith.constant 0 : i32
          %dma_start3A_83 = tpu.memref_slice %arg2[%dma_start3A_81, %dma_start3A_82] : memref<10000x128xf32, #tpu.memory_space<hbm>> -> memref<10000x128xf32, #tpu.memory_space<hbm>>
          tpu.enqueue_indirect_dma source(%dma_start3A_83 : memref<10000x128xf32, #tpu.memory_space<hbm>>) target(%arg9 : memref<125x128xf32, #tpu.memory_space<vmem>>) offsets(%dma_start3A_80 : memref<125xi32, #tpu.memory_space<vmem>>) semaphore(%arg12 : memref<!tpu.dma_semaphore, #tpu.memory_space<semaphore_mem>>)
        } else {
        }
        %add3A_57 = arith.constant 1 : i32
        %add3A_58 = arith.addi %add3A_45, %add3A_57 : i32
        %dma_wait3A_59 = arith.constant 0 : i32
        %dma_wait3A_60 = tpu.memref_slice %arg7[%add3A_58, %dma_wait3A_59] : memref<80x125xi32, #tpu.memory_space<vmem>> -> memref<1x125xi32, #tpu.memory_space<vmem>>
        %dma_wait3A_61 = tpu.memref_squeeze %dma_wait3A_60 : memref<1x125xi32, #tpu.memory_space<vmem>> -> memref<125xi32, #tpu.memory_space<vmem>>
        %dma_wait3A_62 = arith.constant 0 : i32
        %dma_wait3A_63 = arith.constant 0 : i32
        %dma_wait3A_64 = tpu.memref_slice %arg2[%dma_wait3A_62, %dma_wait3A_63] : memref<10000x128xf32, #tpu.memory_space<hbm>> -> memref<10000x128xf32, #tpu.memory_space<hbm>>
        tpu.wait_indirect_dma semaphore(%arg13 : memref<!tpu.dma_semaphore, #tpu.memory_space<semaphore_mem>>) src(%dma_wait3A_64 : memref<10000x128xf32, #tpu.memory_space<hbm>>) dst(%arg10 : memref<125x128xf32, #tpu.memory_space<vmem>>)
        %mul3A_65 = arith.constant 2 : i32
        %mul3A_66 = arith.muli %mul3A_65, %add3A_40 : i32
        %add3A_67 = arith.constant 1 : i32
        %add3A_68 = arith.addi %mul3A_66, %add3A_67 : i32
        "tpu.region"() ({
          %run_scoped3A = tpu.sem_alloc : memref<!tpu.dma_semaphore, #tpu.memory_space<semaphore_mem>>
          %dma_start3A_76 = arith.constant 0 : i32
          %dma_start3A_77 = tpu.memref_slice %arg8[%add3A_68, %dma_start3A_76] : memref<16x125xi32, #tpu.memory_space<vmem>> -> memref<1x125xi32, #tpu.memory_space<vmem>>
          %dma_start3A_78 = tpu.memref_squeeze %dma_start3A_77 : memref<1x125xi32, #tpu.memory_space<vmem>> -> memref<125xi32, #tpu.memory_space<vmem>>
          %dma_start3A_79 = arith.constant 0 : i32
          %dma_start3A_80 = arith.constant 0 : i32
          %dma_start3A_81 = tpu.memref_slice %arg11[%dma_start3A_79, %dma_start3A_80] : memref<10112x128xf32, #tpu.memory_space<vmem_shared>> -> memref<10112x128xf32, #tpu.memory_space<vmem_shared>>
          tpu.enqueue_indirect_dma source(%arg10 : memref<125x128xf32, #tpu.memory_space<vmem>>) target(%dma_start3A_81 : memref<10112x128xf32, #tpu.memory_space<vmem_shared>>) offsets(%dma_start3A_78 : memref<125xi32, #tpu.memory_space<vmem>>) semaphore(%run_scoped3A : memref<!tpu.dma_semaphore, #tpu.memory_space<semaphore_mem>>) {add = true}
          %dma_wait3A_82 = arith.constant 0 : i32
          %dma_wait3A_83 = tpu.memref_slice %arg8[%add3A_68, %dma_wait3A_82] : memref<16x125xi32, #tpu.memory_space<vmem>> -> memref<1x125xi32, #tpu.memory_space<vmem>>
          %dma_wait3A_84 = tpu.memref_squeeze %dma_wait3A_83 : memref<1x125xi32, #tpu.memory_space<vmem>> -> memref<125xi32, #tpu.memory_space<vmem>>
          %dma_wait3A_85 = arith.constant 0 : i32
          %dma_wait3A_86 = arith.constant 0 : i32
          %dma_wait3A_87 = tpu.memref_slice %arg11[%dma_wait3A_85, %dma_wait3A_86] : memref<10112x128xf32, #tpu.memory_space<vmem_shared>> -> memref<10112x128xf32, #tpu.memory_space<vmem_shared>>
          tpu.wait_indirect_dma semaphore(%run_scoped3A : memref<!tpu.dma_semaphore, #tpu.memory_space<semaphore_mem>>) src(%arg10 : memref<125x128xf32, #tpu.memory_space<vmem>>) dst(%dma_wait3A_87 : memref<10112x128xf32, #tpu.memory_space<vmem_shared>>)
          tpu.yield
        }) : () -> ()
        %add3A_69 = arith.constant 3 : i32
        %add3A_70 = arith.addi %add3A_45, %add3A_69 : i32
        %lt3A_71 = arith.constant 80 : i32
        %lt3A_72 = arith.cmpi slt, %add3A_70, %lt3A_71 : i32
        %convert_element_type3A_73 = arith.extui %lt3A_72 : i1 to i32
        %cond3A_74 = arith.constant 0 : i32
        %cond3A_75 = arith.cmpi ne, %convert_element_type3A_73, %cond3A_74 : i32
        scf.if %cond3A_75 {
          %add3A_76 = arith.constant 3 : i32
          %add3A_77 = arith.addi %add3A_45, %add3A_76 : i32
          %dma_start3A_78 = arith.constant 0 : i32
          %dma_start3A_79 = tpu.memref_slice %arg7[%add3A_77, %dma_start3A_78] : memref<80x125xi32, #tpu.memory_space<vmem>> -> memref<1x125xi32, #tpu.memory_space<vmem>>
          %dma_start3A_80 = tpu.memref_squeeze %dma_start3A_79 : memref<1x125xi32, #tpu.memory_space<vmem>> -> memref<125xi32, #tpu.memory_space<vmem>>
          %dma_start3A_81 = arith.constant 0 : i32
          %dma_start3A_82 = arith.constant 0 : i32
          %dma_start3A_83 = tpu.memref_slice %arg2[%dma_start3A_81, %dma_start3A_82] : memref<10000x128xf32, #tpu.memory_space<hbm>> -> memref<10000x128xf32, #tpu.memory_space<hbm>>
          tpu.enqueue_indirect_dma source(%dma_start3A_83 : memref<10000x128xf32, #tpu.memory_space<hbm>>) target(%arg10 : memref<125x128xf32, #tpu.memory_space<vmem>>) offsets(%dma_start3A_80 : memref<125xi32, #tpu.memory_space<vmem>>) semaphore(%arg13 : memref<!tpu.dma_semaphore, #tpu.memory_space<semaphore_mem>>)
        } else {
        }
      }
      %scan3A_35 = arith.constant 8 : i32
    }
    %scan3A_21 = arith.constant 5 : i32
    %barrier3A_22 = arith.constant 0 : index
    tpu.barrier barrier_id(%barrier3A_22)
    "tpu.region"() ({
      %run_scoped3A = tpu.sem_alloc : memref<!tpu.dma_semaphore, #tpu.memory_space<semaphore_mem>>
      %dma_start3A_23 = arith.constant 0 : i32
      %dma_start3A_24 = tpu.memref_slice %arg6[%arg0, %mul3A_4, %dma_start3A_23] : memref<2x10112x128xf32, #tpu.memory_space<hbm>> -> memref<1x632x128xf32, #tpu.memory_space<hbm>>
      %dma_start3A_25 = tpu.memref_squeeze %dma_start3A_24 : memref<1x632x128xf32, #tpu.memory_space<hbm>> -> memref<632x128xf32, #tpu.memory_space<hbm>>
      %dma_start3A_26 = arith.constant 0 : i32
      %dma_start3A_27 = tpu.memref_slice %arg11[%mul3A_4, %dma_start3A_26] : memref<10112x128xf32, #tpu.memory_space<vmem_shared>> -> memref<632x128xf32, #tpu.memory_space<vmem_shared>>
      tpu.enqueue_dma source(%dma_start3A_27 : memref<632x128xf32, #tpu.memory_space<vmem_shared>>) target(%dma_start3A_25 : memref<632x128xf32, #tpu.memory_space<hbm>>) target_semaphore(%run_scoped3A : memref<!tpu.dma_semaphore, #tpu.memory_space<semaphore_mem>>)
      %dma_wait3A = arith.constant 0 : i32
      %dma_wait3A_28 = tpu.memref_slice %arg6[%arg0, %mul3A_4, %dma_wait3A] : memref<2x10112x128xf32, #tpu.memory_space<hbm>> -> memref<1x632x128xf32, #tpu.memory_space<hbm>>
      %dma_wait3A_29 = tpu.memref_squeeze %dma_wait3A_28 : memref<1x632x128xf32, #tpu.memory_space<hbm>> -> memref<632x128xf32, #tpu.memory_space<hbm>>
      %dma_wait3A_30 = arith.constant 0 : i32
      %dma_wait3A_31 = tpu.memref_slice %arg11[%mul3A_4, %dma_wait3A_30] : memref<10112x128xf32, #tpu.memory_space<vmem_shared>> -> memref<632x128xf32, #tpu.memory_space<vmem_shared>>
      tpu.wait_dma2 semaphore(%run_scoped3A : memref<!tpu.dma_semaphore, #tpu.memory_space<semaphore_mem>>) src(%dma_wait3A_31 : memref<632x128xf32, #tpu.memory_space<vmem_shared>>) dst(%dma_wait3A_29 : memref<632x128xf32, #tpu.memory_space<hbm>>)
      tpu.yield
    }) : () -> ()
    return
  }
}

#map = affine_map<(d0, d1) -> (0, 0)>
#map1 = affine_map<(d0, d1) -> (0, 0, 0)>
module attributes {stable_mosaic.version = 14 : i64} {
  func.func @agg_kernel(%arg0: i32, %arg1: i32, %arg2: memref<10000x128xf32, #tpu.memory_space<hbm>>, %arg3: memref<2560x125xi32, #tpu.memory_space<hbm>>, %arg4: memref<2560x125xi32, #tpu.memory_space<hbm>>, %arg5: memref<632x128xf32, #tpu.memory_space<hbm>>, %arg6: memref<2x10112x128xf32, #tpu.memory_space<hbm>>, %arg7: memref<80x125xi32, #tpu.memory_space<vmem>>, %arg8: memref<16x125xi32, #tpu.memory_space<vmem>>, %arg9: memref<125x128xf32, #tpu.memory_space<vmem>>, %arg10: memref<125x128xf32, #tpu.memory_space<vmem>>, %arg11: memref<10112x128xf32, #tpu.memory_space<vmem_shared>>, %arg12: memref<!tpu.dma_semaphore, #tpu.memory_space<semaphore_mem>>, %arg13: memref<!tpu.dma_semaphore, #tpu.memory_space<semaphore_mem>>) attributes {dimension_semantics = [#tpu.dimension_semantics<core_parallel>, #tpu.dimension_semantics<subcore_parallel>], iteration_bounds = array<i64: 2, 16>, scalar_prefetch = 0 : i64, scratch_operands = 7 : i64, tpu.core_type = #tpu.core_type<sc_vector_subcore>, window_params = [{transform_indices = #map}, {transform_indices = #map}, {transform_indices = #map}, {transform_indices = #map}, {transform_indices = #map1}]} {
    %mul3A = arith.constant 16 : i32
    %mul3A_0 = arith.muli %arg0, %mul3A : i32
    %add3A = arith.addi %mul3A_0, %arg1 : i32
    %mul3A_1 = arith.constant 80 : i32
    %mul3A_2 = arith.muli %add3A, %mul3A_1 : i32
    "tpu.region"() ({
      %run_scoped3A = tpu.sem_alloc : memref<!tpu.dma_semaphore, #tpu.memory_space<semaphore_mem>>
      %dma_start3A_23 = arith.constant 0 : i32
      %dma_start3A_24 = tpu.memref_slice %arg3[%mul3A_2, %dma_start3A_23] : memref<2560x125xi32, #tpu.memory_space<hbm>> -> memref<80x125xi32, #tpu.memory_space<hbm>>
      %dma_start3A_25 = arith.constant 0 : i32
      %dma_start3A_26 = tpu.memref_slice %arg3[%mul3A_2, %dma_start3A_25] : memref<2560x125xi32, #tpu.memory_space<hbm>> -> memref<80x125xi32, #tpu.memory_space<hbm>>
      tpu.enqueue_dma source(%dma_start3A_26 : memref<80x125xi32, #tpu.memory_space<hbm>>) target(%arg7 : memref<80x125xi32, #tpu.memory_space<vmem>>) target_semaphore(%run_scoped3A : memref<!tpu.dma_semaphore, #tpu.memory_space<semaphore_mem>>)
      %dma_wait3A = arith.constant 0 : i32
      %dma_wait3A_27 = tpu.memref_slice %arg3[%mul3A_2, %dma_wait3A] : memref<2560x125xi32, #tpu.memory_space<hbm>> -> memref<80x125xi32, #tpu.memory_space<hbm>>
      %dma_wait3A_28 = arith.constant 0 : i32
      %dma_wait3A_29 = tpu.memref_slice %arg3[%mul3A_2, %dma_wait3A_28] : memref<2560x125xi32, #tpu.memory_space<hbm>> -> memref<80x125xi32, #tpu.memory_space<hbm>>
      tpu.wait_dma2 semaphore(%run_scoped3A : memref<!tpu.dma_semaphore, #tpu.memory_space<semaphore_mem>>) src(%dma_wait3A_29 : memref<80x125xi32, #tpu.memory_space<hbm>>) dst(%arg7 : memref<80x125xi32, #tpu.memory_space<vmem>>)
      tpu.yield
    }) : () -> ()
    %mul3A_3 = arith.constant 632 : i32
    %mul3A_4 = arith.muli %arg1, %mul3A_3 : i32
    "tpu.region"() ({
      %run_scoped3A = tpu.sem_alloc : memref<!tpu.dma_semaphore, #tpu.memory_space<semaphore_mem>>
      %dma_start3A_23 = arith.constant 0 : i32
      %dma_start3A_24 = tpu.memref_slice %arg11[%mul3A_4, %dma_start3A_23] : memref<10112x128xf32, #tpu.memory_space<vmem_shared>> -> memref<632x128xf32, #tpu.memory_space<vmem_shared>>
      tpu.enqueue_dma source(%arg5 : memref<632x128xf32, #tpu.memory_space<hbm>>) target(%dma_start3A_24 : memref<632x128xf32, #tpu.memory_space<vmem_shared>>) target_semaphore(%run_scoped3A : memref<!tpu.dma_semaphore, #tpu.memory_space<semaphore_mem>>)
      %dma_wait3A = arith.constant 0 : i32
      %dma_wait3A_25 = tpu.memref_slice %arg11[%mul3A_4, %dma_wait3A] : memref<10112x128xf32, #tpu.memory_space<vmem_shared>> -> memref<632x128xf32, #tpu.memory_space<vmem_shared>>
      tpu.wait_dma2 semaphore(%run_scoped3A : memref<!tpu.dma_semaphore, #tpu.memory_space<semaphore_mem>>) src(%arg5 : memref<632x128xf32, #tpu.memory_space<hbm>>) dst(%dma_wait3A_25 : memref<632x128xf32, #tpu.memory_space<vmem_shared>>)
      tpu.yield
    }) : () -> ()
    %barrier3A = arith.constant 0 : index
    tpu.barrier barrier_id(%barrier3A)
    %dma_start3A = arith.constant 0 : i32
    %dma_start3A_5 = arith.constant 0 : i32
    %dma_start3A_6 = tpu.memref_slice %arg7[%dma_start3A, %dma_start3A_5] : memref<80x125xi32, #tpu.memory_space<vmem>> -> memref<1x125xi32, #tpu.memory_space<vmem>>
    %dma_start3A_7 = tpu.memref_squeeze %dma_start3A_6 : memref<1x125xi32, #tpu.memory_space<vmem>> -> memref<125xi32, #tpu.memory_space<vmem>>
    %dma_start3A_8 = arith.constant 0 : i32
    %dma_start3A_9 = arith.constant 0 : i32
    %dma_start3A_10 = tpu.memref_slice %arg2[%dma_start3A_8, %dma_start3A_9] : memref<10000x128xf32, #tpu.memory_space<hbm>> -> memref<10000x128xf32, #tpu.memory_space<hbm>>
    tpu.enqueue_indirect_dma source(%dma_start3A_10 : memref<10000x128xf32, #tpu.memory_space<hbm>>) target(%arg9 : memref<125x128xf32, #tpu.memory_space<vmem>>) offsets(%dma_start3A_7 : memref<125xi32, #tpu.memory_space<vmem>>) semaphore(%arg12 : memref<!tpu.dma_semaphore, #tpu.memory_space<semaphore_mem>>)
    %dma_start3A_11 = arith.constant 1 : i32
    %dma_start3A_12 = arith.constant 0 : i32
    %dma_start3A_13 = tpu.memref_slice %arg7[%dma_start3A_11, %dma_start3A_12] : memref<80x125xi32, #tpu.memory_space<vmem>> -> memref<1x125xi32, #tpu.memory_space<vmem>>
    %dma_start3A_14 = tpu.memref_squeeze %dma_start3A_13 : memref<1x125xi32, #tpu.memory_space<vmem>> -> memref<125xi32, #tpu.memory_space<vmem>>
    %dma_start3A_15 = arith.constant 0 : i32
    %dma_start3A_16 = arith.constant 0 : i32
    %dma_start3A_17 = tpu.memref_slice %arg2[%dma_start3A_15, %dma_start3A_16] : memref<10000x128xf32, #tpu.memory_space<hbm>> -> memref<10000x128xf32, #tpu.memory_space<hbm>>
    tpu.enqueue_indirect_dma source(%dma_start3A_17 : memref<10000x128xf32, #tpu.memory_space<hbm>>) target(%arg10 : memref<125x128xf32, #tpu.memory_space<vmem>>) offsets(%dma_start3A_14 : memref<125xi32, #tpu.memory_space<vmem>>) semaphore(%arg13 : memref<!tpu.dma_semaphore, #tpu.memory_space<semaphore_mem>>)
    %scan3A = arith.constant 0 : i32
    %scan3A_18 = arith.constant 5 : i32
    %scan3A_19 = arith.addi %scan3A, %scan3A_18 : i32
    %scan3A_20 = arith.constant 1 : i32
    scf.for %scan3A_23 = %scan3A to %scan3A_19 step %scan3A_20  : i32 {
      %mul3A_24 = arith.constant 1 : i32
      %mul3A_25 = arith.muli %scan3A_23, %mul3A_24 : i32
      %add3A_26 = arith.constant 0 : i32
      %add3A_27 = arith.addi %add3A_26, %mul3A_25 : i32
      %mul3A_28 = arith.constant 16 : i32
      %mul3A_29 = arith.muli %add3A_27, %mul3A_28 : i32
      %add3A_30 = arith.addi %mul3A_2, %mul3A_29 : i32
      "tpu.region"() ({
        %run_scoped3A = tpu.sem_alloc : memref<!tpu.dma_semaphore, #tpu.memory_space<semaphore_mem>>
        %dma_start3A_36 = arith.constant 0 : i32
        %dma_start3A_37 = tpu.memref_slice %arg4[%add3A_30, %dma_start3A_36] : memref<2560x125xi32, #tpu.memory_space<hbm>> -> memref<16x125xi32, #tpu.memory_space<hbm>>
        %dma_start3A_38 = arith.constant 0 : i32
        %dma_start3A_39 = tpu.memref_slice %arg4[%add3A_30, %dma_start3A_38] : memref<2560x125xi32, #tpu.memory_space<hbm>> -> memref<16x125xi32, #tpu.memory_space<hbm>>
        tpu.enqueue_dma source(%dma_start3A_39 : memref<16x125xi32, #tpu.memory_space<hbm>>) target(%arg8 : memref<16x125xi32, #tpu.memory_space<vmem>>) target_semaphore(%run_scoped3A : memref<!tpu.dma_semaphore, #tpu.memory_space<semaphore_mem>>)
        %dma_wait3A = arith.constant 0 : i32
        %dma_wait3A_40 = tpu.memref_slice %arg4[%add3A_30, %dma_wait3A] : memref<2560x125xi32, #tpu.memory_space<hbm>> -> memref<16x125xi32, #tpu.memory_space<hbm>>
        %dma_wait3A_41 = arith.constant 0 : i32
        %dma_wait3A_42 = tpu.memref_slice %arg4[%add3A_30, %dma_wait3A_41] : memref<2560x125xi32, #tpu.memory_space<hbm>> -> memref<16x125xi32, #tpu.memory_space<hbm>>
        tpu.wait_dma2 semaphore(%run_scoped3A : memref<!tpu.dma_semaphore, #tpu.memory_space<semaphore_mem>>) src(%dma_wait3A_42 : memref<16x125xi32, #tpu.memory_space<hbm>>) dst(%arg8 : memref<16x125xi32, #tpu.memory_space<vmem>>)
        tpu.yield
      }) : () -> ()
      %scan3A_31 = arith.constant 0 : i32
      %scan3A_32 = arith.constant 8 : i32
      %scan3A_33 = arith.addi %scan3A_31, %scan3A_32 : i32
      %scan3A_34 = arith.constant 1 : i32
      scf.for %scan3A_36 = %scan3A_31 to %scan3A_33 step %scan3A_34  : i32 {
        %mul3A_37 = arith.constant 1 : i32
        %mul3A_38 = arith.muli %scan3A_36, %mul3A_37 : i32
        %add3A_39 = arith.constant 0 : i32
        %add3A_40 = arith.addi %add3A_39, %mul3A_38 : i32
        %mul3A_41 = arith.constant 16 : i32
        %mul3A_42 = arith.muli %add3A_27, %mul3A_41 : i32
        %mul3A_43 = arith.constant 2 : i32
        %mul3A_44 = arith.muli %mul3A_43, %add3A_40 : i32
        %add3A_45 = arith.addi %mul3A_42, %mul3A_44 : i32
        %dma_wait3A = arith.constant 0 : i32
        %dma_wait3A_46 = tpu.memref_slice %arg7[%add3A_45, %dma_wait3A] : memref<80x125xi32, #tpu.memory_space<vmem>> -> memref<1x125xi32, #tpu.memory_space<vmem>>
        %dma_wait3A_47 = tpu.memref_squeeze %dma_wait3A_46 : memref<1x125xi32, #tpu.memory_space<vmem>> -> memref<125xi32, #tpu.memory_space<vmem>>
        %dma_wait3A_48 = arith.constant 0 : i32
        %dma_wait3A_49 = arith.constant 0 : i32
        %dma_wait3A_50 = tpu.memref_slice %arg2[%dma_wait3A_48, %dma_wait3A_49] : memref<10000x128xf32, #tpu.memory_space<hbm>> -> memref<10000x128xf32, #tpu.memory_space<hbm>>
        tpu.wait_indirect_dma semaphore(%arg12 : memref<!tpu.dma_semaphore, #tpu.memory_space<semaphore_mem>>) src(%dma_wait3A_50 : memref<10000x128xf32, #tpu.memory_space<hbm>>) dst(%arg9 : memref<125x128xf32, #tpu.memory_space<vmem>>)
        %mul3A_51 = arith.constant 2 : i32
        %mul3A_52 = arith.muli %mul3A_51, %add3A_40 : i32
        "tpu.region"() ({
          %run_scoped3A = tpu.sem_alloc : memref<!tpu.dma_semaphore, #tpu.memory_space<semaphore_mem>>
          %dma_start3A_76 = arith.constant 0 : i32
          %dma_start3A_77 = tpu.memref_slice %arg8[%mul3A_52, %dma_start3A_76] : memref<16x125xi32, #tpu.memory_space<vmem>> -> memref<1x125xi32, #tpu.memory_space<vmem>>
          %dma_start3A_78 = tpu.memref_squeeze %dma_start3A_77 : memref<1x125xi32, #tpu.memory_space<vmem>> -> memref<125xi32, #tpu.memory_space<vmem>>
          %dma_start3A_79 = arith.constant 0 : i32
          %dma_start3A_80 = arith.constant 0 : i32
          %dma_start3A_81 = tpu.memref_slice %arg11[%dma_start3A_79, %dma_start3A_80] : memref<10112x128xf32, #tpu.memory_space<vmem_shared>> -> memref<10112x128xf32, #tpu.memory_space<vmem_shared>>
          tpu.enqueue_indirect_dma source(%arg9 : memref<125x128xf32, #tpu.memory_space<vmem>>) target(%dma_start3A_81 : memref<10112x128xf32, #tpu.memory_space<vmem_shared>>) offsets(%dma_start3A_78 : memref<125xi32, #tpu.memory_space<vmem>>) semaphore(%run_scoped3A : memref<!tpu.dma_semaphore, #tpu.memory_space<semaphore_mem>>) {add = true}
          %dma_wait3A_82 = arith.constant 0 : i32
          %dma_wait3A_83 = tpu.memref_slice %arg8[%mul3A_52, %dma_wait3A_82] : memref<16x125xi32, #tpu.memory_space<vmem>> -> memref<1x125xi32, #tpu.memory_space<vmem>>
          %dma_wait3A_84 = tpu.memref_squeeze %dma_wait3A_83 : memref<1x125xi32, #tpu.memory_space<vmem>> -> memref<125xi32, #tpu.memory_space<vmem>>
          %dma_wait3A_85 = arith.constant 0 : i32
          %dma_wait3A_86 = arith.constant 0 : i32
          %dma_wait3A_87 = tpu.memref_slice %arg11[%dma_wait3A_85, %dma_wait3A_86] : memref<10112x128xf32, #tpu.memory_space<vmem_shared>> -> memref<10112x128xf32, #tpu.memory_space<vmem_shared>>
          tpu.wait_indirect_dma semaphore(%run_scoped3A : memref<!tpu.dma_semaphore, #tpu.memory_space<semaphore_mem>>) src(%arg9 : memref<125x128xf32, #tpu.memory_space<vmem>>) dst(%dma_wait3A_87 : memref<10112x128xf32, #tpu.memory_space<vmem_shared>>)
          tpu.yield
        }) : () -> ()
        %add3A_53 = arith.constant 2 : i32
        %add3A_54 = arith.addi %add3A_45, %add3A_53 : i32
        %lt3A = arith.constant 80 : i32
        %lt3A_55 = arith.cmpi slt, %add3A_54, %lt3A : i32
        %convert_element_type3A = arith.extui %lt3A_55 : i1 to i32
        %cond3A = arith.constant 0 : i32
        %cond3A_56 = arith.cmpi ne, %convert_element_type3A, %cond3A : i32
        scf.if %cond3A_56 {
          %add3A_76 = arith.constant 2 : i32
          %add3A_77 = arith.addi %add3A_45, %add3A_76 : i32
          %dma_start3A_78 = arith.constant 0 : i32
          %dma_start3A_79 = tpu.memref_slice %arg7[%add3A_77, %dma_start3A_78] : memref<80x125xi32, #tpu.memory_space<vmem>> -> memref<1x125xi32, #tpu.memory_space<vmem>>
          %dma_start3A_80 = tpu.memref_squeeze %dma_start3A_79 : memref<1x125xi32, #tpu.memory_space<vmem>> -> memref<125xi32, #tpu.memory_space<vmem>>
          %dma_start3A_81 = arith.constant 0 : i32
          %dma_start3A_82 = arith.constant 0 : i32
          %dma_start3A_83 = tpu.memref_slice %arg2[%dma_start3A_81, %dma_start3A_82] : memref<10000x128xf32, #tpu.memory_space<hbm>> -> memref<10000x128xf32, #tpu.memory_space<hbm>>
          tpu.enqueue_indirect_dma source(%dma_start3A_83 : memref<10000x128xf32, #tpu.memory_space<hbm>>) target(%arg9 : memref<125x128xf32, #tpu.memory_space<vmem>>) offsets(%dma_start3A_80 : memref<125xi32, #tpu.memory_space<vmem>>) semaphore(%arg12 : memref<!tpu.dma_semaphore, #tpu.memory_space<semaphore_mem>>)
        } else {
        }
        %add3A_57 = arith.constant 1 : i32
        %add3A_58 = arith.addi %add3A_45, %add3A_57 : i32
        %dma_wait3A_59 = arith.constant 0 : i32
        %dma_wait3A_60 = tpu.memref_slice %arg7[%add3A_58, %dma_wait3A_59] : memref<80x125xi32, #tpu.memory_space<vmem>> -> memref<1x125xi32, #tpu.memory_space<vmem>>
        %dma_wait3A_61 = tpu.memref_squeeze %dma_wait3A_60 : memref<1x125xi32, #tpu.memory_space<vmem>> -> memref<125xi32, #tpu.memory_space<vmem>>
        %dma_wait3A_62 = arith.constant 0 : i32
        %dma_wait3A_63 = arith.constant 0 : i32
        %dma_wait3A_64 = tpu.memref_slice %arg2[%dma_wait3A_62, %dma_wait3A_63] : memref<10000x128xf32, #tpu.memory_space<hbm>> -> memref<10000x128xf32, #tpu.memory_space<hbm>>
        tpu.wait_indirect_dma semaphore(%arg13 : memref<!tpu.dma_semaphore, #tpu.memory_space<semaphore_mem>>) src(%dma_wait3A_64 : memref<10000x128xf32, #tpu.memory_space<hbm>>) dst(%arg10 : memref<125x128xf32, #tpu.memory_space<vmem>>)
        %mul3A_65 = arith.constant 2 : i32
        %mul3A_66 = arith.muli %mul3A_65, %add3A_40 : i32
        %add3A_67 = arith.constant 1 : i32
        %add3A_68 = arith.addi %mul3A_66, %add3A_67 : i32
        "tpu.region"() ({
          %run_scoped3A = tpu.sem_alloc : memref<!tpu.dma_semaphore, #tpu.memory_space<semaphore_mem>>
          %dma_start3A_76 = arith.constant 0 : i32
          %dma_start3A_77 = tpu.memref_slice %arg8[%add3A_68, %dma_start3A_76] : memref<16x125xi32, #tpu.memory_space<vmem>> -> memref<1x125xi32, #tpu.memory_space<vmem>>
          %dma_start3A_78 = tpu.memref_squeeze %dma_start3A_77 : memref<1x125xi32, #tpu.memory_space<vmem>> -> memref<125xi32, #tpu.memory_space<vmem>>
          %dma_start3A_79 = arith.constant 0 : i32
          %dma_start3A_80 = arith.constant 0 : i32
          %dma_start3A_81 = tpu.memref_slice %arg11[%dma_start3A_79, %dma_start3A_80] : memref<10112x128xf32, #tpu.memory_space<vmem_shared>> -> memref<10112x128xf32, #tpu.memory_space<vmem_shared>>
          tpu.enqueue_indirect_dma source(%arg10 : memref<125x128xf32, #tpu.memory_space<vmem>>) target(%dma_start3A_81 : memref<10112x128xf32, #tpu.memory_space<vmem_shared>>) offsets(%dma_start3A_78 : memref<125xi32, #tpu.memory_space<vmem>>) semaphore(%run_scoped3A : memref<!tpu.dma_semaphore, #tpu.memory_space<semaphore_mem>>) {add = true}
          %dma_wait3A_82 = arith.constant 0 : i32
          %dma_wait3A_83 = tpu.memref_slice %arg8[%add3A_68, %dma_wait3A_82] : memref<16x125xi32, #tpu.memory_space<vmem>> -> memref<1x125xi32, #tpu.memory_space<vmem>>
          %dma_wait3A_84 = tpu.memref_squeeze %dma_wait3A_83 : memref<1x125xi32, #tpu.memory_space<vmem>> -> memref<125xi32, #tpu.memory_space<vmem>>
          %dma_wait3A_85 = arith.constant 0 : i32
          %dma_wait3A_86 = arith.constant 0 : i32
          %dma_wait3A_87 = tpu.memref_slice %arg11[%dma_wait3A_85, %dma_wait3A_86] : memref<10112x128xf32, #tpu.memory_space<vmem_shared>> -> memref<10112x128xf32, #tpu.memory_space<vmem_shared>>
          tpu.wait_indirect_dma semaphore(%run_scoped3A : memref<!tpu.dma_semaphore, #tpu.memory_space<semaphore_mem>>) src(%arg10 : memref<125x128xf32, #tpu.memory_space<vmem>>) dst(%dma_wait3A_87 : memref<10112x128xf32, #tpu.memory_space<vmem_shared>>)
          tpu.yield
        }) : () -> ()
        %add3A_69 = arith.constant 3 : i32
        %add3A_70 = arith.addi %add3A_45, %add3A_69 : i32
        %lt3A_71 = arith.constant 80 : i32
        %lt3A_72 = arith.cmpi slt, %add3A_70, %lt3A_71 : i32
        %convert_element_type3A_73 = arith.extui %lt3A_72 : i1 to i32
        %cond3A_74 = arith.constant 0 : i32
        %cond3A_75 = arith.cmpi ne, %convert_element_type3A_73, %cond3A_74 : i32
        scf.if %cond3A_75 {
          %add3A_76 = arith.constant 3 : i32
          %add3A_77 = arith.addi %add3A_45, %add3A_76 : i32
          %dma_start3A_78 = arith.constant 0 : i32
          %dma_start3A_79 = tpu.memref_slice %arg7[%add3A_77, %dma_start3A_78] : memref<80x125xi32, #tpu.memory_space<vmem>> -> memref<1x125xi32, #tpu.memory_space<vmem>>
          %dma_start3A_80 = tpu.memref_squeeze %dma_start3A_79 : memref<1x125xi32, #tpu.memory_space<vmem>> -> memref<125xi32, #tpu.memory_space<vmem>>
          %dma_start3A_81 = arith.constant 0 : i32
          %dma_start3A_82 = arith.constant 0 : i32
          %dma_start3A_83 = tpu.memref_slice %arg2[%dma_start3A_81, %dma_start3A_82] : memref<10000x128xf32, #tpu.memory_space<hbm>> -> memref<10000x128xf32, #tpu.memory_space<hbm>>
          tpu.enqueue_indirect_dma source(%dma_start3A_83 : memref<10000x128xf32, #tpu.memory_space<hbm>>) target(%arg10 : memref<125x128xf32, #tpu.memory_space<vmem>>) offsets(%dma_start3A_80 : memref<125xi32, #tpu.memory_space<vmem>>) semaphore(%arg13 : memref<!tpu.dma_semaphore, #tpu.memory_space<semaphore_mem>>)
        } else {
        }
      }
      %scan3A_35 = arith.constant 8 : i32
    }
    %scan3A_21 = arith.constant 5 : i32
    %barrier3A_22 = arith.constant 0 : index
    tpu.barrier barrier_id(%barrier3A_22)
    "tpu.region"() ({
      %run_scoped3A = tpu.sem_alloc : memref<!tpu.dma_semaphore, #tpu.memory_space<semaphore_mem>>
      %dma_start3A_23 = arith.constant 0 : i32
      %dma_start3A_24 = tpu.memref_slice %arg6[%arg0, %mul3A_4, %dma_start3A_23] : memref<2x10112x128xf32, #tpu.memory_space<hbm>> -> memref<1x632x128xf32, #tpu.memory_space<hbm>>
      %dma_start3A_25 = tpu.memref_squeeze %dma_start3A_24 : memref<1x632x128xf32, #tpu.memory_space<hbm>> -> memref<632x128xf32, #tpu.memory_space<hbm>>
      %dma_start3A_26 = arith.constant 0 : i32
      %dma_start3A_27 = tpu.memref_slice %arg11[%mul3A_4, %dma_start3A_26] : memref<10112x128xf32, #tpu.memory_space<vmem_shared>> -> memref<632x128xf32, #tpu.memory_space<vmem_shared>>
      tpu.enqueue_dma source(%dma_start3A_27 : memref<632x128xf32, #tpu.memory_space<vmem_shared>>) target(%dma_start3A_25 : memref<632x128xf32, #tpu.memory_space<hbm>>) target_semaphore(%run_scoped3A : memref<!tpu.dma_semaphore, #tpu.memory_space<semaphore_mem>>)
      %dma_wait3A = arith.constant 0 : i32
      %dma_wait3A_28 = tpu.memref_slice %arg6[%arg0, %mul3A_4, %dma_wait3A] : memref<2x10112x128xf32, #tpu.memory_space<hbm>> -> memref<1x632x128xf32, #tpu.memory_space<hbm>>
      %dma_wait3A_29 = tpu.memref_squeeze %dma_wait3A_28 : memref<1x632x128xf32, #tpu.memory_space<hbm>> -> memref<632x128xf32, #tpu.memory_space<hbm>>
      %dma_wait3A_30 = arith.constant 0 : i32
      %dma_wait3A_31 = tpu.memref_slice %arg11[%mul3A_4, %dma_wait3A_30] : memref<10112x128xf32, #tpu.memory_space<vmem_shared>> -> memref<632x128xf32, #tpu.memory_space<vmem_shared>>
      tpu.wait_dma2 semaphore(%run_scoped3A : memref<!tpu.dma_semaphore, #tpu.memory_space<semaphore_mem>>) src(%dma_wait3A_31 : memref<632x128xf32, #tpu.memory_space<vmem_shared>>) dst(%dma_wait3A_29 : memref<632x128xf32, #tpu.memory_space<hbm>>)
      tpu.yield
    }) : () -> ()
    return
  }
}

#map = affine_map<(d0, d1) -> (0, 0)>
#map1 = affine_map<(d0, d1) -> (0, 0, 0)>
module attributes {stable_mosaic.version = 14 : i64} {
  func.func @deg_kernel(%arg0: i32, %arg1: i32, %arg2: memref<2560x125xi32, #tpu.memory_space<hbm>>, %arg3: memref<125x128xf32, #tpu.memory_space<hbm>>, %arg4: memref<632x128xf32, #tpu.memory_space<hbm>>, %arg5: memref<2x10112x128xf32, #tpu.memory_space<hbm>>, %arg6: memref<80x125xi32, #tpu.memory_space<vmem>>, %arg7: memref<125x128xf32, #tpu.memory_space<vmem>>, %arg8: memref<10112x128xf32, #tpu.memory_space<vmem_shared>>) attributes {dimension_semantics = [#tpu.dimension_semantics<core_parallel>, #tpu.dimension_semantics<subcore_parallel>], iteration_bounds = array<i64: 2, 16>, scalar_prefetch = 0 : i64, scratch_operands = 3 : i64, tpu.core_type = #tpu.core_type<sc_vector_subcore>, window_params = [{transform_indices = #map}, {transform_indices = #map}, {transform_indices = #map}, {transform_indices = #map1}]} {
    %mul3A = arith.constant 16 : i32
    %mul3A_0 = arith.muli %arg0, %mul3A : i32
    %add3A = arith.addi %mul3A_0, %arg1 : i32
    %mul3A_1 = arith.constant 80 : i32
    %mul3A_2 = arith.muli %add3A, %mul3A_1 : i32
    "tpu.region"() ({
      %run_scoped3A = tpu.sem_alloc : memref<!tpu.dma_semaphore, #tpu.memory_space<semaphore_mem>>
      %dma_start3A = arith.constant 0 : i32
      %dma_start3A_10 = tpu.memref_slice %arg2[%mul3A_2, %dma_start3A] : memref<2560x125xi32, #tpu.memory_space<hbm>> -> memref<80x125xi32, #tpu.memory_space<hbm>>
      %dma_start3A_11 = arith.constant 0 : i32
      %dma_start3A_12 = tpu.memref_slice %arg2[%mul3A_2, %dma_start3A_11] : memref<2560x125xi32, #tpu.memory_space<hbm>> -> memref<80x125xi32, #tpu.memory_space<hbm>>
      tpu.enqueue_dma source(%dma_start3A_12 : memref<80x125xi32, #tpu.memory_space<hbm>>) target(%arg6 : memref<80x125xi32, #tpu.memory_space<vmem>>) target_semaphore(%run_scoped3A : memref<!tpu.dma_semaphore, #tpu.memory_space<semaphore_mem>>)
      %dma_wait3A = arith.constant 0 : i32
      %dma_wait3A_13 = tpu.memref_slice %arg2[%mul3A_2, %dma_wait3A] : memref<2560x125xi32, #tpu.memory_space<hbm>> -> memref<80x125xi32, #tpu.memory_space<hbm>>
      %dma_wait3A_14 = arith.constant 0 : i32
      %dma_wait3A_15 = tpu.memref_slice %arg2[%mul3A_2, %dma_wait3A_14] : memref<2560x125xi32, #tpu.memory_space<hbm>> -> memref<80x125xi32, #tpu.memory_space<hbm>>
      tpu.wait_dma2 semaphore(%run_scoped3A : memref<!tpu.dma_semaphore, #tpu.memory_space<semaphore_mem>>) src(%dma_wait3A_15 : memref<80x125xi32, #tpu.memory_space<hbm>>) dst(%arg6 : memref<80x125xi32, #tpu.memory_space<vmem>>)
      tpu.yield
    }) : () -> ()
    "tpu.region"() ({
      %run_scoped3A = tpu.sem_alloc : memref<!tpu.dma_semaphore, #tpu.memory_space<semaphore_mem>>
      tpu.enqueue_dma source(%arg3 : memref<125x128xf32, #tpu.memory_space<hbm>>) target(%arg7 : memref<125x128xf32, #tpu.memory_space<vmem>>) target_semaphore(%run_scoped3A : memref<!tpu.dma_semaphore, #tpu.memory_space<semaphore_mem>>)
      tpu.wait_dma2 semaphore(%run_scoped3A : memref<!tpu.dma_semaphore, #tpu.memory_space<semaphore_mem>>) src(%arg3 : memref<125x128xf32, #tpu.memory_space<hbm>>) dst(%arg7 : memref<125x128xf32, #tpu.memory_space<vmem>>)
      tpu.yield
    }) : () -> ()
    %mul3A_3 = arith.constant 632 : i32
    %mul3A_4 = arith.muli %arg1, %mul3A_3 : i32
    "tpu.region"() ({
      %run_scoped3A = tpu.sem_alloc : memref<!tpu.dma_semaphore, #tpu.memory_space<semaphore_mem>>
      %dma_start3A = arith.constant 0 : i32
      %dma_start3A_10 = tpu.memref_slice %arg8[%mul3A_4, %dma_start3A] : memref<10112x128xf32, #tpu.memory_space<vmem_shared>> -> memref<632x128xf32, #tpu.memory_space<vmem_shared>>
      tpu.enqueue_dma source(%arg4 : memref<632x128xf32, #tpu.memory_space<hbm>>) target(%dma_start3A_10 : memref<632x128xf32, #tpu.memory_space<vmem_shared>>) target_semaphore(%run_scoped3A : memref<!tpu.dma_semaphore, #tpu.memory_space<semaphore_mem>>)
      %dma_wait3A = arith.constant 0 : i32
      %dma_wait3A_11 = tpu.memref_slice %arg8[%mul3A_4, %dma_wait3A] : memref<10112x128xf32, #tpu.memory_space<vmem_shared>> -> memref<632x128xf32, #tpu.memory_space<vmem_shared>>
      tpu.wait_dma2 semaphore(%run_scoped3A : memref<!tpu.dma_semaphore, #tpu.memory_space<semaphore_mem>>) src(%arg4 : memref<632x128xf32, #tpu.memory_space<hbm>>) dst(%dma_wait3A_11 : memref<632x128xf32, #tpu.memory_space<vmem_shared>>)
      tpu.yield
    }) : () -> ()
    %barrier3A = arith.constant 0 : index
    tpu.barrier barrier_id(%barrier3A)
    %scan3A = arith.constant 0 : i32
    %scan3A_5 = arith.constant 80 : i32
    %scan3A_6 = arith.addi %scan3A, %scan3A_5 : i32
    %scan3A_7 = arith.constant 1 : i32
    scf.for %scan3A_10 = %scan3A to %scan3A_6 step %scan3A_7  : i32 {
      %mul3A_11 = arith.constant 1 : i32
      %mul3A_12 = arith.muli %scan3A_10, %mul3A_11 : i32
      %add3A_13 = arith.constant 0 : i32
      %add3A_14 = arith.addi %add3A_13, %mul3A_12 : i32
      "tpu.region"() ({
        %run_scoped3A = tpu.sem_alloc : memref<!tpu.dma_semaphore, #tpu.memory_space<semaphore_mem>>
        %dma_start3A = arith.constant 0 : i32
        %dma_start3A_15 = tpu.memref_slice %arg6[%add3A_14, %dma_start3A] : memref<80x125xi32, #tpu.memory_space<vmem>> -> memref<1x125xi32, #tpu.memory_space<vmem>>
        %dma_start3A_16 = tpu.memref_squeeze %dma_start3A_15 : memref<1x125xi32, #tpu.memory_space<vmem>> -> memref<125xi32, #tpu.memory_space<vmem>>
        %dma_start3A_17 = arith.constant 0 : i32
        %dma_start3A_18 = arith.constant 0 : i32
        %dma_start3A_19 = tpu.memref_slice %arg8[%dma_start3A_17, %dma_start3A_18] : memref<10112x128xf32, #tpu.memory_space<vmem_shared>> -> memref<10112x128xf32, #tpu.memory_space<vmem_shared>>
        tpu.enqueue_indirect_dma source(%arg7 : memref<125x128xf32, #tpu.memory_space<vmem>>) target(%dma_start3A_19 : memref<10112x128xf32, #tpu.memory_space<vmem_shared>>) offsets(%dma_start3A_16 : memref<125xi32, #tpu.memory_space<vmem>>) semaphore(%run_scoped3A : memref<!tpu.dma_semaphore, #tpu.memory_space<semaphore_mem>>) {add = true}
        %dma_wait3A = arith.constant 0 : i32
        %dma_wait3A_20 = tpu.memref_slice %arg6[%add3A_14, %dma_wait3A] : memref<80x125xi32, #tpu.memory_space<vmem>> -> memref<1x125xi32, #tpu.memory_space<vmem>>
        %dma_wait3A_21 = tpu.memref_squeeze %dma_wait3A_20 : memref<1x125xi32, #tpu.memory_space<vmem>> -> memref<125xi32, #tpu.memory_space<vmem>>
        %dma_wait3A_22 = arith.constant 0 : i32
        %dma_wait3A_23 = arith.constant 0 : i32
        %dma_wait3A_24 = tpu.memref_slice %arg8[%dma_wait3A_22, %dma_wait3A_23] : memref<10112x128xf32, #tpu.memory_space<vmem_shared>> -> memref<10112x128xf32, #tpu.memory_space<vmem_shared>>
        tpu.wait_indirect_dma semaphore(%run_scoped3A : memref<!tpu.dma_semaphore, #tpu.memory_space<semaphore_mem>>) src(%arg7 : memref<125x128xf32, #tpu.memory_space<vmem>>) dst(%dma_wait3A_24 : memref<10112x128xf32, #tpu.memory_space<vmem_shared>>)
        tpu.yield
      }) : () -> ()
    }
    %scan3A_8 = arith.constant 80 : i32
    %barrier3A_9 = arith.constant 0 : index
    tpu.barrier barrier_id(%barrier3A_9)
    "tpu.region"() ({
      %run_scoped3A = tpu.sem_alloc : memref<!tpu.dma_semaphore, #tpu.memory_space<semaphore_mem>>
      %dma_start3A = arith.constant 0 : i32
      %dma_start3A_10 = tpu.memref_slice %arg5[%arg0, %mul3A_4, %dma_start3A] : memref<2x10112x128xf32, #tpu.memory_space<hbm>> -> memref<1x632x128xf32, #tpu.memory_space<hbm>>
      %dma_start3A_11 = tpu.memref_squeeze %dma_start3A_10 : memref<1x632x128xf32, #tpu.memory_space<hbm>> -> memref<632x128xf32, #tpu.memory_space<hbm>>
      %dma_start3A_12 = arith.constant 0 : i32
      %dma_start3A_13 = tpu.memref_slice %arg8[%mul3A_4, %dma_start3A_12] : memref<10112x128xf32, #tpu.memory_space<vmem_shared>> -> memref<632x128xf32, #tpu.memory_space<vmem_shared>>
      tpu.enqueue_dma source(%dma_start3A_13 : memref<632x128xf32, #tpu.memory_space<vmem_shared>>) target(%dma_start3A_11 : memref<632x128xf32, #tpu.memory_space<hbm>>) target_semaphore(%run_scoped3A : memref<!tpu.dma_semaphore, #tpu.memory_space<semaphore_mem>>)
      %dma_wait3A = arith.constant 0 : i32
      %dma_wait3A_14 = tpu.memref_slice %arg5[%arg0, %mul3A_4, %dma_wait3A] : memref<2x10112x128xf32, #tpu.memory_space<hbm>> -> memref<1x632x128xf32, #tpu.memory_space<hbm>>
      %dma_wait3A_15 = tpu.memref_squeeze %dma_wait3A_14 : memref<1x632x128xf32, #tpu.memory_space<hbm>> -> memref<632x128xf32, #tpu.memory_space<hbm>>
      %dma_wait3A_16 = arith.constant 0 : i32
      %dma_wait3A_17 = tpu.memref_slice %arg8[%mul3A_4, %dma_wait3A_16] : memref<10112x128xf32, #tpu.memory_space<vmem_shared>> -> memref<632x128xf32, #tpu.memory_space<vmem_shared>>
      tpu.wait_dma2 semaphore(%run_scoped3A : memref<!tpu.dma_semaphore, #tpu.memory_space<semaphore_mem>>) src(%dma_wait3A_17 : memref<632x128xf32, #tpu.memory_space<vmem_shared>>) dst(%dma_wait3A_15 : memref<632x128xf32, #tpu.memory_space<hbm>>)
      tpu.yield
    }) : () -> ()
    return
  }
}

module attributes {stable_mosaic.version = 14 : i64} {
  func.func @body(%arg0: i32, %arg1: memref<2000x128xf32, #tpu.memory_space<vmem>>, %arg2: memref<128x128xf32, #tpu.memory_space<vmem>>, %arg3: memref<2x2000x128xf32, #tpu.memory_space<vmem>>, %arg4: memref<2000x128xf32, #tpu.memory_space<vmem>>, %arg5: memref<2000x128xf32, #tpu.memory_space<vmem>>) attributes {dimension_semantics = [#tpu.dimension_semantics<arbitrary>], iteration_bounds = array<i64: 5>, scalar_prefetch = 0 : i64, scratch_operands = 0 : i64, tpu.core_type = #tpu.core_type<tc>, window_params = [{transform_indices = @transform_0, window_bounds = array<i64: 2000, 128>}, {pipeline_mode = #tpu.pipeline_mode<synchronous>, transform_indices = @transform_1, window_bounds = array<i64: 128, 128>}, {transform_indices = @transform_2, window_bounds = array<i64: 2, 2000, 128>}, {transform_indices = @transform_3, window_bounds = array<i64: 2000, 128>}, {transform_indices = @transform_4, window_bounds = array<i64: 2000, 128>}]} {
    %get3A = arith.constant 0 : index
    %get3A_0 = arith.constant 0 : index
    %get3A_1 = vector.load %arg1[%get3A, %get3A_0] : memref<2000x128xf32, #tpu.memory_space<vmem>>, vector<2000x128xf32>
    %get3A_2 = arith.constant 0 : index
    %get3A_3 = arith.constant 0 : index
    %get3A_4 = vector.load %arg2[%get3A_2, %get3A_3] : memref<128x128xf32, #tpu.memory_space<vmem>>, vector<128x128xf32>
    %dot_general3A = arith.constant dense<0.000000e+00> : vector<2000x128xf32>
    %dot_general3A_5 = tpu.matmul %get3A_1, %get3A_4, %dot_general3A {dimension_numbers = #tpu.dot_dimension_numbers<[1], [0], [0], [1], [0, 0, 1, 1], [], []>, transpose_lhs_hint = false} : vector<2000x128xf32>, vector<128x128xf32>, vector<2000x128xf32> -> vector<2000x128xf32>
    %get3A_6 = arith.constant 0 : index
    %get3A_7 = arith.constant 0 : index
    %get3A_8 = arith.constant 0 : index
    %get3A_9 = vector.load %arg3[%get3A_6, %get3A_7, %get3A_8] : memref<2x2000x128xf32, #tpu.memory_space<vmem>>, vector<1x2000x1xf32>
    %get3A_10 = vector.shape_cast %get3A_9 : vector<1x2000x1xf32> to vector<2000x1xf32>
    %get3A_11 = arith.constant 1 : index
    %get3A_12 = arith.constant 0 : index
    %get3A_13 = arith.constant 0 : index
    %get3A_14 = vector.load %arg3[%get3A_11, %get3A_12, %get3A_13] : memref<2x2000x128xf32, #tpu.memory_space<vmem>>, vector<1x2000x1xf32>
    %get3A_15 = vector.shape_cast %get3A_14 : vector<1x2000x1xf32> to vector<2000x1xf32>
    %add3A = arith.addf %get3A_10, %get3A_15 : vector<2000x1xf32>
    %add3A_16 = arith.constant 1.000000e+00 : f32
    %add3A_17 = vector.broadcast %add3A_16 : f32 to vector<2000x1xf32>
    %add3A_18 = arith.addf %add3A, %add3A_17 : vector<2000x1xf32>
    %rsqrt3A = math.rsqrt %add3A_18 : vector<2000x1xf32>
    %mul3A = vector.broadcast %rsqrt3A : vector<2000x1xf32> to vector<2000x128xf32>
    %mul3A_19 = arith.mulf %dot_general3A_5, %mul3A : vector<2000x128xf32>
    %swap3A = arith.constant 0 : index
    %swap3A_20 = arith.constant 0 : index
    %swap3A_21 = vector.load %arg4[%swap3A, %swap3A_20] : memref<2000x128xf32, #tpu.memory_space<vmem>>, vector<2000x128xf32>
    tpu.vector_store %arg4[%swap3A, %swap3A_20], %mul3A_19 {strides = array<i32>} : memref<2000x128xf32, #tpu.memory_space<vmem>>, vector<2000x128xf32>,
    %broadcast_in_dim3A = vector.shape_cast %rsqrt3A : vector<2000x1xf32> to vector<2000x1xf32>
    %broadcast_in_dim3A_22 = vector.broadcast %broadcast_in_dim3A : vector<2000x1xf32> to vector<2000x128xf32>
    %swap3A_23 = arith.constant 0 : index
    %swap3A_24 = arith.constant 0 : index
    %swap3A_25 = vector.load %arg5[%swap3A_23, %swap3A_24] : memref<2000x128xf32, #tpu.memory_space<vmem>>, vector<2000x128xf32>
    tpu.vector_store %arg5[%swap3A_23, %swap3A_24], %broadcast_in_dim3A_22 {strides = array<i32>} : memref<2000x128xf32, #tpu.memory_space<vmem>>, vector<2000x128xf32>,
    return
  }
  func.func @transform_0(%arg0: i32) -> (i32, i32) {
    %c0_i32 = arith.constant 0 : i32
    %c0_i32_0 = arith.constant 0 : i32
    return %arg0, %c0_i32 : i32, i32
  }
  func.func @transform_1(%arg0: i32) -> (i32, i32) {
    %c0_i32 = arith.constant 0 : i32
    %c0_i32_0 = arith.constant 0 : i32
    %c0_i32_1 = arith.constant 0 : i32
    return %c0_i32, %c0_i32_0 : i32, i32
  }
  func.func @transform_2(%arg0: i32) -> (i32, i32, i32) {
    %c0_i32 = arith.constant 0 : i32
    %c0_i32_0 = arith.constant 0 : i32
    %c0_i32_1 = arith.constant 0 : i32
    return %c0_i32, %arg0, %c0_i32_0 : i32, i32, i32
  }
  func.func @transform_3(%arg0: i32) -> (i32, i32) {
    %c0_i32 = arith.constant 0 : i32
    %c0_i32_0 = arith.constant 0 : i32
    return %arg0, %c0_i32 : i32, i32
  }
  func.func @transform_4(%arg0: i32) -> (i32, i32) {
    %c0_i32 = arith.constant 0 : i32
    %c0_i32_0 = arith.constant 0 : i32
    return %arg0, %c0_i32 : i32, i32
  }
}

module attributes {stable_mosaic.version = 14 : i64} {
  func.func @body(%arg0: i32, %arg1: memref<2x2000x128xf32, #tpu.memory_space<vmem>>, %arg2: memref<2000x128xf32, #tpu.memory_space<vmem>>, %arg3: memref<2000x128xf32, #tpu.memory_space<vmem>>, %arg4: memref<1x128xf32, #tpu.memory_space<vmem>>, %arg5: memref<128x64xf32, #tpu.memory_space<vmem>>, %arg6: memref<2000x128xf32, #tpu.memory_space<vmem>>) attributes {dimension_semantics = [#tpu.dimension_semantics<arbitrary>], iteration_bounds = array<i64: 5>, scalar_prefetch = 0 : i64, scratch_operands = 0 : i64, tpu.core_type = #tpu.core_type<tc>, window_params = [{transform_indices = @transform_0, window_bounds = array<i64: 2, 2000, 128>}, {transform_indices = @transform_1, window_bounds = array<i64: 2000, 128>}, {transform_indices = @transform_2, window_bounds = array<i64: 2000, 128>}, {pipeline_mode = #tpu.pipeline_mode<synchronous>, transform_indices = @transform_3, window_bounds = array<i64: 1, 128>}, {pipeline_mode = #tpu.pipeline_mode<synchronous>, transform_indices = @transform_4, window_bounds = array<i64: 128, 64>}, {transform_indices = @transform_5, window_bounds = array<i64: 2000, 128>}]} {
    %get3A = arith.constant 0 : index
    %get3A_0 = arith.constant 0 : index
    %get3A_1 = arith.constant 0 : index
    %get3A_2 = vector.load %arg1[%get3A, %get3A_0, %get3A_1] : memref<2x2000x128xf32, #tpu.memory_space<vmem>>, vector<1x2000x128xf32>
    %get3A_3 = vector.shape_cast %get3A_2 : vector<1x2000x128xf32> to vector<2000x128xf32>
    %get3A_4 = arith.constant 1 : index
    %get3A_5 = arith.constant 0 : index
    %get3A_6 = arith.constant 0 : index
    %get3A_7 = vector.load %arg1[%get3A_4, %get3A_5, %get3A_6] : memref<2x2000x128xf32, #tpu.memory_space<vmem>>, vector<1x2000x128xf32>
    %get3A_8 = vector.shape_cast %get3A_7 : vector<1x2000x128xf32> to vector<2000x128xf32>
    %add3A = arith.addf %get3A_3, %get3A_8 : vector<2000x128xf32>
    %get3A_9 = arith.constant 0 : index
    %get3A_10 = arith.constant 0 : index
    %get3A_11 = vector.load %arg2[%get3A_9, %get3A_10] : memref<2000x128xf32, #tpu.memory_space<vmem>>, vector<2000x128xf32>
    %add3A_12 = arith.addf %add3A, %get3A_11 : vector<2000x128xf32>
    %get3A_13 = arith.constant 0 : index
    %get3A_14 = arith.constant 0 : index
    %get3A_15 = vector.load %arg3[%get3A_13, %get3A_14] : memref<2000x128xf32, #tpu.memory_space<vmem>>, vector<2000x128xf32>
    %mul3A = arith.mulf %get3A_15, %add3A_12 : vector<2000x128xf32>
    %get3A_16 = arith.constant 0 : index
    %get3A_17 = arith.constant 0 : index
    %get3A_18 = vector.load %arg4[%get3A_16, %get3A_17] : memref<1x128xf32, #tpu.memory_space<vmem>>, vector<1x128xf32>
    %add3A_19 = vector.broadcast %get3A_18 : vector<1x128xf32> to vector<2000x128xf32>
    %add3A_20 = arith.addf %mul3A, %add3A_19 : vector<2000x128xf32>
    %max3A = arith.constant 0.000000e+00 : f32
    %max3A_21 = vector.broadcast %max3A : f32 to vector<2000x128xf32>
    %max3A_22 = arith.maximumf %add3A_20, %max3A_21 : vector<2000x128xf32>
    %get3A_23 = arith.constant 0 : index
    %get3A_24 = arith.constant 0 : index
    %get3A_25 = vector.load %arg5[%get3A_23, %get3A_24] : memref<128x64xf32, #tpu.memory_space<vmem>>, vector<128x64xf32>
    %dot_general3A = arith.constant dense<0.000000e+00> : vector<2000x64xf32>
    %dot_general3A_26 = tpu.matmul %max3A_22, %get3A_25, %dot_general3A {dimension_numbers = #tpu.dot_dimension_numbers<[1], [0], [0], [1], [0, 0, 1, 1], [], []>, transpose_lhs_hint = false} : vector<2000x128xf32>, vector<128x64xf32>, vector<2000x64xf32> -> vector<2000x64xf32>
    %get3A_27 = arith.constant 0 : index
    %get3A_28 = arith.constant 0 : index
    %get3A_29 = vector.load %arg3[%get3A_27, %get3A_28] : memref<2000x128xf32, #tpu.memory_space<vmem>>, vector<2000x64xf32>
    %mul3A_30 = arith.mulf %dot_general3A_26, %get3A_29 : vector<2000x64xf32>
    %broadcast_in_dim3A = arith.constant 0.000000e+00 : f32
    %broadcast_in_dim3A_31 = vector.broadcast %broadcast_in_dim3A : f32 to vector<2000x64xf32>
    %concatenate3A = tpu.concatenate %mul3A_30, %broadcast_in_dim3A_31 in 1 : vector<2000x64xf32>, vector<2000x64xf32> -> vector<2000x128xf32>
    %swap3A = arith.constant 0 : index
    %swap3A_32 = arith.constant 0 : index
    %swap3A_33 = vector.load %arg6[%swap3A, %swap3A_32] : memref<2000x128xf32, #tpu.memory_space<vmem>>, vector<2000x128xf32>
    tpu.vector_store %arg6[%swap3A, %swap3A_32], %concatenate3A {strides = array<i32>} : memref<2000x128xf32, #tpu.memory_space<vmem>>, vector<2000x128xf32>,
    return
  }
  func.func @transform_0(%arg0: i32) -> (i32, i32, i32) {
    %c0_i32 = arith.constant 0 : i32
    %c0_i32_0 = arith.constant 0 : i32
    %c0_i32_1 = arith.constant 0 : i32
    return %c0_i32, %arg0, %c0_i32_0 : i32, i32, i32
  }
  func.func @transform_1(%arg0: i32) -> (i32, i32) {
    %c0_i32 = arith.constant 0 : i32
    %c0_i32_0 = arith.constant 0 : i32
    return %arg0, %c0_i32 : i32, i32
  }
  func.func @transform_2(%arg0: i32) -> (i32, i32) {
    %c0_i32 = arith.constant 0 : i32
    %c0_i32_0 = arith.constant 0 : i32
    return %arg0, %c0_i32 : i32, i32
  }
  func.func @transform_3(%arg0: i32) -> (i32, i32) {
    %c0_i32 = arith.constant 0 : i32
    %c0_i32_0 = arith.constant 0 : i32
    %c0_i32_1 = arith.constant 0 : i32
    return %c0_i32, %c0_i32_0 : i32, i32
  }
  func.func @transform_4(%arg0: i32) -> (i32, i32) {
    %c0_i32 = arith.constant 0 : i32
    %c0_i32_0 = arith.constant 0 : i32
    %c0_i32_1 = arith.constant 0 : i32
    return %c0_i32, %c0_i32_0 : i32, i32
  }
  func.func @transform_5(%arg0: i32) -> (i32, i32) {
    %c0_i32 = arith.constant 0 : i32
    %c0_i32_0 = arith.constant 0 : i32
    return %arg0, %c0_i32 : i32, i32
  }
}

module attributes {stable_mosaic.version = 14 : i64} {
  func.func @body(%arg0: i32, %arg1: memref<2x2000x128xf32, #tpu.memory_space<vmem>>, %arg2: memref<2000x128xf32, #tpu.memory_space<vmem>>, %arg3: memref<2000x128xf32, #tpu.memory_space<vmem>>, %arg4: memref<1x64xf32, #tpu.memory_space<vmem>>, %arg5: memref<2000x64xf32, #tpu.memory_space<vmem>>) attributes {dimension_semantics = [#tpu.dimension_semantics<arbitrary>], iteration_bounds = array<i64: 5>, scalar_prefetch = 0 : i64, scratch_operands = 0 : i64, tpu.core_type = #tpu.core_type<tc>, window_params = [{transform_indices = @transform_0, window_bounds = array<i64: 2, 2000, 128>}, {transform_indices = @transform_1, window_bounds = array<i64: 2000, 128>}, {transform_indices = @transform_2, window_bounds = array<i64: 2000, 128>}, {pipeline_mode = #tpu.pipeline_mode<synchronous>, transform_indices = @transform_3, window_bounds = array<i64: 1, 64>}, {transform_indices = @transform_4, window_bounds = array<i64: 2000, 64>}]} {
    %get3A = arith.constant 0 : index
    %get3A_0 = arith.constant 0 : index
    %get3A_1 = vector.load %arg3[%get3A, %get3A_0] : memref<2000x128xf32, #tpu.memory_space<vmem>>, vector<2000x64xf32>
    %get3A_2 = arith.constant 0 : index
    %get3A_3 = arith.constant 0 : index
    %get3A_4 = arith.constant 0 : index
    %get3A_5 = vector.load %arg1[%get3A_2, %get3A_3, %get3A_4] : memref<2x2000x128xf32, #tpu.memory_space<vmem>>, vector<1x2000x64xf32>
    %get3A_6 = vector.shape_cast %get3A_5 : vector<1x2000x64xf32> to vector<2000x64xf32>
    %get3A_7 = arith.constant 1 : index
    %get3A_8 = arith.constant 0 : index
    %get3A_9 = arith.constant 0 : index
    %get3A_10 = vector.load %arg1[%get3A_7, %get3A_8, %get3A_9] : memref<2x2000x128xf32, #tpu.memory_space<vmem>>, vector<1x2000x64xf32>
    %get3A_11 = vector.shape_cast %get3A_10 : vector<1x2000x64xf32> to vector<2000x64xf32>
    %add3A = arith.addf %get3A_6, %get3A_11 : vector<2000x64xf32>
    %get3A_12 = arith.constant 0 : index
    %get3A_13 = arith.constant 0 : index
    %get3A_14 = vector.load %arg2[%get3A_12, %get3A_13] : memref<2000x128xf32, #tpu.memory_space<vmem>>, vector<2000x64xf32>
    %add3A_15 = arith.addf %add3A, %get3A_14 : vector<2000x64xf32>
    %mul3A = arith.mulf %get3A_1, %add3A_15 : vector<2000x64xf32>
    %get3A_16 = arith.constant 0 : index
    %get3A_17 = arith.constant 0 : index
    %get3A_18 = vector.load %arg4[%get3A_16, %get3A_17] : memref<1x64xf32, #tpu.memory_space<vmem>>, vector<1x64xf32>
    %add3A_19 = vector.broadcast %get3A_18 : vector<1x64xf32> to vector<2000x64xf32>
    %add3A_20 = arith.addf %mul3A, %add3A_19 : vector<2000x64xf32>
    %reduce_max3A = arith.constant dense<0xFF800000> : vector<2000xf32>
    %reduce_max3A_21 = vector.multi_reduction <maximumf>, %add3A_20, %reduce_max3A [1] : vector<2000x64xf32> to vector<2000xf32>
    %broadcast_in_dim3A = vector.shape_cast %reduce_max3A_21 : vector<2000xf32> to vector<2000x1xf32>
    %sub3A = vector.broadcast %broadcast_in_dim3A : vector<2000x1xf32> to vector<2000x64xf32>
    %sub3A_22 = arith.subf %add3A_20, %sub3A : vector<2000x64xf32>
    %exp3A = math.exp %sub3A_22 : vector<2000x64xf32>
    %reduce_sum3A = arith.constant dense<0.000000e+00> : vector<2000xf32>
    %reduce_sum3A_23 = vector.multi_reduction <add>, %exp3A, %reduce_sum3A [1] : vector<2000x64xf32> to vector<2000xf32>
    %broadcast_in_dim3A_24 = vector.shape_cast %reduce_sum3A_23 : vector<2000xf32> to vector<2000x1xf32>
    %log3A = math.log %broadcast_in_dim3A_24 : vector<2000x1xf32>
    %sub3A_25 = vector.broadcast %log3A : vector<2000x1xf32> to vector<2000x64xf32>
    %sub3A_26 = arith.subf %sub3A_22, %sub3A_25 : vector<2000x64xf32>
    %swap3A = arith.constant 0 : index
    %swap3A_27 = arith.constant 0 : index
    %swap3A_28 = vector.load %arg5[%swap3A, %swap3A_27] : memref<2000x64xf32, #tpu.memory_space<vmem>>, vector<2000x64xf32>
    tpu.vector_store %arg5[%swap3A, %swap3A_27], %sub3A_26 {strides = array<i32>} : memref<2000x64xf32, #tpu.memory_space<vmem>>, vector<2000x64xf32>,
    return
  }
  func.func @transform_0(%arg0: i32) -> (i32, i32, i32) {
    %c0_i32 = arith.constant 0 : i32
    %c0_i32_0 = arith.constant 0 : i32
    %c0_i32_1 = arith.constant 0 : i32
    return %c0_i32, %arg0, %c0_i32_0 : i32, i32, i32
  }
  func.func @transform_1(%arg0: i32) -> (i32, i32) {
    %c0_i32 = arith.constant 0 : i32
    %c0_i32_0 = arith.constant 0 : i32
    return %arg0, %c0_i32 : i32, i32
  }
  func.func @transform_2(%arg0: i32) -> (i32, i32) {
    %c0_i32 = arith.constant 0 : i32
    %c0_i32_0 = arith.constant 0 : i32
    return %arg0, %c0_i32 : i32, i32
  }
  func.func @transform_3(%arg0: i32) -> (i32, i32) {
    %c0_i32 = arith.constant 0 : i32
    %c0_i32_0 = arith.constant 0 : i32
    %c0_i32_1 = arith.constant 0 : i32
    return %c0_i32, %c0_i32_0 : i32, i32
  }
  func.func @transform_4(%arg0: i32) -> (i32, i32) {
    %c0_i32 = arith.constant 0 : i32
    %c0_i32_0 = arith.constant 0 : i32
    return %arg0, %c0_i32 : i32, i32
  }
}

</mosaic_0001>

<sc_bundles>
// kernel: kernel.11.cloned.1.call-start
scs
__scs_entry_jumppad:
0x0: {  	(pc) =	sbr.rel $0x88, $3  }
0x1: {  	(tag) =	ssettag $0x0;
	lr =	simm.s32 $0x1  }
0x2: {  	[smem:$0x3F9B] =	sst lr;
	_ =	strace $0xD0000000  }
0x3: {  	_ = 	snop  }
0x4: {  	_ = 	snop  }
0x5: {  	_ = 	snop  }
0x6: {  	_ = 	snop  }
0x7: {  	_ = 	snop  }
__scs_overlays_trampoline_lowered:
0x8: {  	[smem:$0x3FAA] =	sst s0  }
0x9: {  	[smem:$0x3FAB] =	sst s1  }
0xa: {  	[smem:$0x3FAC] =	sst s2  }
0xb: {  	[smem:$0x3FAD] =	sst s3  }
0xc: {  	[smem:$0x3FAE] =	sst s4  }
0xd: {  	[smem:$0x3FAF] =	sst s5  }
0xe: {  	[smem:$0x3FB0] =	sst s6  }
0xf: {  	[smem:$0x3FB1] =	sst s7  }
0x10: {  	[smem:$0x3FB2] =	sst s8  }
0x11: {  	[smem:$0x3FB3] =	sst s9;
	s0 =	simm.s32 @!p0 $0x0  }
0x12: {  	s1 =	sld [smem:$0x3F99];
	s0 =	simm.s32 @p0 $0x1  }
0x13: {  	[smem:$0x3FB4] =	sst s0;
	s0 =	simm.s32 @!p1 $0x0  }
0x14: {  	s2 =	sld [smem:$0x3F98];
	s0 =	simm.s32 @p1 $0x1  }
0x15: {  	[smem:$0x3FB5] =	sst s0;
	s0 =	simm.s32 @!p2 $0x0  }
0x16: {  	s3 =	sld [smem:$0x3FDB];
	s0 =	simm.s32 @p2 $0x1  }
0x17: {  	s4 =	simm.s32 $0x1BF5;
	[smem:$0x3FB7] =	sst s0  }
0x18: {  	s0 =	sld [smem:$0x3F9A];
	_ =	swait.ge [sflag:s4], $0x0  }
0x19: {  	s7 =	sld [smem:$0x3F9B]  }
0x1a: {  	s8 =	sadd.s32 $0xFFFFE003, lr  }
0x1b: {  	s9 =	sadd.s32 $0xFFFFFEF7, lr;
	s5 =	simm.s32 $0xFFFFFFFF;
	p2 =	slt.u32 s8, $0xFFFFF086  }
0x1c: {  	p1 =	slt.u32 s9, $0xF7A;
	s5 =	simm.s32 @!p2 $0x0  }
0x1d: {  	s5 =	simm.s32 @p1 $0x1;
	p0 =	seq.s32 s7, s2  }
0x1e: {  	s7 =	smul.u32 @!p0 $0xF7A, s2;
	p2 =	seq.s32 @!p0 s5, $0x0  }
0x1f: {  	s9 =	smul.u32 $0xF7A, s1;
	s8 =	simm.s32 @!p0 $0x1BF5;
	p2 =	por !p2, p0  }
0x20: {  	[sflag:s8] =	ssyncset.s32 @!p0 $0xFFFFF086;
	s6 =	sadd.s32 @!p0 s3, s7;
	s7 =	simm.s32 @!p0 $0x108  }
0x21: {  	s3 =	sadd.s32 s3, s9;
	s6 =	sadd.s32 @!p0 $0x88, s6;
	s7 =	simm.s32 @p2 $0x1082  }
0x22: {  	[simem:s7], [sflag:s8] =	dma.local @!p0 [hbm:s6], $0xF7A  }
0x23: {  	s9 =	sor.u32 $0xD0000000, s2;
	s6 =	simm.s32 $0x108;
	_ =	swait.ge @!p0 [sflag:s8], $0x0  }
0x24: {  	s3 =	sadd.s32 $0x88, s3;
	s6 =	simm.s32 @!p1 $0x1082;
	[sflag:s4] =	ssyncset.s32 $0xFFFFF086  }
0x25: {  	[simem:s6], [sflag:s4] =	dma.local [hbm:s3], $0xF7A  }
0x26: {  	[smem:$0x3F9B] =	sst s1;
	(tag) =	ssettag s2;
	_ =	strace s9  }
0x27: {  	s1 =	sld [smem:$0x3FAB]  }
0x28: {  	s2 =	sld [smem:$0x3FAC]  }
0x29: {  	s4 =	sld [smem:$0x3FAE]  }
0x2a: {  	p0 =	seq.s32 s5, $0x0;
	s5 =	sld [smem:$0x3FAF]  }
0x2b: {  	s6 =	sld [smem:$0x3FB0]  }
0x2c: {  	s7 =	sld [smem:$0x3FB1]  }
0x2d: {  	s3 =	simm.s32 $0x108;
	s8 =	sld [smem:$0x3FB2]  }
0x2e: {  	s3 =	simm.s32 @!p0 $0x1082;
	s9 =	sld [smem:$0x3FB3]  }
0x2f: {  	lr =	sadd.s32 s0, s3;
	s0 =	sld [smem:$0x3FAA]  }
0x30: {  	s3 =	sld [smem:$0x3FAD]  }
0x31: {  	[smem:$0x3FB6] =	sst s10  }
0x32: {  	s10 =	sld [smem:$0x3FB4];
	_ =	sdelay $0x3  }
0x33: {  	p0 =	seq.s32 s10, $0x1;
	s10 =	sld [smem:$0x3FB6];
	_ =	sdelay $0x3  }
0x34: {  	[smem:$0x3FB6] =	sst s10  }
0x35: {  	s10 =	sld [smem:$0x3FB5];
	_ =	sdelay $0x3  }
0x36: {  	p1 =	seq.s32 s10, $0x1;
	s10 =	sld [smem:$0x3FB6];
	_ =	sdelay $0x3  }
0x37: {  	[smem:$0x3FB6] =	sst s10  }
0x38: {  	s10 =	sld [smem:$0x3FB7]  }
0x39: {  	_ = 	snop;
	(pc) =	sbr.ind lr, $3  }
0x3a: {  	_ = 	snop  }
0x3b: {  	_ = 	snop  }
0x3c: {  	p2 =	seq.s32 s10, $0x1;
	s10 =	sld [smem:$0x3FB6]  }
0x3d: {  	_ =	shalt  }
0x3e: {  	_ =	shalt  }
0x3f: {  	_ =	shalt  }
0x40: {  	_ =	shalt  }
0x41: {  	_ =	shalt  }
0x42: {  	_ =	shalt  }
0x43: {  	_ =	shalt  }
0x44: {  	_ =	shalt  }
0x45: {  	_ =	shalt  }
0x46: {  	_ =	shalt  }
0x47: {  	_ =	shalt  }
0x48: {  	_ =	shalt  }
0x49: {  	_ =	shalt  }
0x4a: {  	_ =	shalt  }
0x4b: {  	_ =	shalt  }
0x4c: {  	_ =	shalt  }
0x4d: {  	_ =	shalt  }
0x4e: {  	_ =	shalt  }
0x4f: {  	_ =	shalt  }
0x50: {  	_ =	shalt  }
0x51: {  	_ =	shalt  }
0x52: {  	_ =	shalt  }
0x53: {  	_ =	shalt  }
0x54: {  	_ =	shalt  }
0x55: {  	_ =	shalt  }
0x56: {  	_ =	shalt  }
0x57: {  	_ =	shalt  }
0x58: {  	_ =	shalt  }
0x59: {  	_ =	shalt  }
0x5a: {  	_ =	shalt  }
0x5b: {  	_ =	shalt  }
0x5c: {  	_ =	shalt  }
0x5d: {  	_ =	shalt  }
0x5e: {  	_ =	shalt  }
0x5f: {  	_ =	shalt  }
0x60: {  	_ =	shalt  }
0x61: {  	_ =	shalt  }
0x62: {  	_ =	shalt  }
0x63: {  	_ =	shalt  }
0x64: {  	_ =	shalt  }
0x65: {  	_ =	shalt  }
0x66: {  	_ =	shalt  }
0x67: {  	_ =	shalt  }
0x68: {  	_ =	shalt  }
0x69: {  	_ =	shalt  }
0x6a: {  	_ =	shalt  }
0x6b: {  	_ =	shalt  }
0x6c: {  	_ =	shalt  }
0x6d: {  	_ =	shalt  }
0x6e: {  	_ =	shalt  }
0x6f: {  	_ =	shalt  }
0x70: {  	_ =	shalt  }
0x71: {  	_ =	shalt  }
0x72: {  	_ =	shalt  }
0x73: {  	_ =	shalt  }
0x74: {  	_ =	shalt  }
0x75: {  	_ =	shalt  }
0x76: {  	_ =	shalt  }
0x77: {  	_ =	shalt  }
0x78: {  	_ =	shalt  }
0x79: {  	_ =	shalt  }
0x7a: {  	_ =	shalt  }
0x7b: {  	_ =	shalt  }
0x7c: {  	_ =	shalt  }
0x7d: {  	_ =	shalt  }
0x7e: {  	_ =	shalt  }
0x7f: {  	_ =	shalt  }
0x80: {  	_ =	shalt  }
0x81: {  	_ =	shalt  }
0x82: {  	_ =	shalt  }
0x83: {  	_ =	shalt  }
0x84: {  	_ =	shalt  }
0x85: {  	_ =	shalt  }
0x86: {  	_ =	shalt  }
0x87: {  	_ =	shalt  }
.Lfunc_end0:
.L_simem_size_0:
called_computation.1_lowered:
.L_overlay_start_0:
0x88: {  	s2 =	sld [smem:$0x3FD9]  }
0x89: {  	s3 =	sld [smem:$0x3FFE];
	_ =	sdelay $0x1  }
0x8a: {  	s1 =	srdreg.scid  }
0x8b: {  	s0 =	sand.u32 $0x1, s1  }
0x8c: {  	s17 =	sshll.u32 s0, $0xA;
	s2 =	sadd.s32 s3, s2  }
0x8d: {  	s2 =	sadd.s32 s2, s17  }
0x8e: {  	[smem:$0x3FC2] =	sst s2  }
0x8f: {  	_ = 	snop  }
0x90: {  	s2 =	sld [smem:$0x3FD0];
	(tm) =	ssettm $0x1  }
0x91: {  	s18 =	sld [smem:$0x3FFB];
	_ =	sdelay $0x3  }
0x92: {  	_ =	strace s18  }
0x93: {  	s3 =	sld [smem:$0x3FFC];
	_ =	sdelay $0x3  }
0x94: {  	_ =	strace s3  }
0x95: {  	s3 =	sld [smem:$0x3FFD];
	_ =	sdelay $0x3  }
0x96: {  	_ =	strace s3  }
0x97: {  	_ =	strace $0x8FFFFFFF  }
0x98: {  	s19 =	sld [smem:$0x3FDB];
	_ =	sdelay $0x1  }
0x99: {  	s4 =	simm.s32 $_scs_section_size  }
0x9a: {  	s5 =	simm.s32 $_size__tile_overlayer_lowered;
	s6 =	simm.s32 $_tile_overlayer_lowered  }
0x9b: {  	s22 =	simm.s32 $0x1BFF;
	s21 =	sshll.u32 s6, $0x1;
	s3 =	sadd.s32 s4, s19  }
0x9c: {  	s7 =	simm.s32 $0x0;
	s20 =	sshll.u32 s5, $0x1;
	s5 =	sadd.s32 s21, s3  }
0x9d: {  	[timem:s7], [sflag:s22] =	dma.local [hbm:s5], s20  }
0x9e: {  	_ =	swait.ge [sflag:s22], s20  }
0x9f: {  	s4 =	ssub.s32 $0x0, s20;
	[sflag:s22] =	ssyncset.done $0x0  }
0xa0: {  	[sflag:s22] =	ssyncadd.s32 s4;
	_ =	sdelay $0x1  }
0xa1: {  	s23 =	simm.s32 $0x1B8B  }
0xa2: {  	_ =	swait.ge [sflag:s23], $0x1  }
0xa3: {  	[sflag:s23] =	ssyncset.done $0x0  }
0xa4: {  	s25 =	simm.s32 $0x1B8E;
	s24 =	sld [smem:$0x3FFE];
	[sflag:s23] =	ssyncadd.s32 $0xFFFFFFFF  }
0xa5: {  	s26 =	simm.s32 $execute0_lowered;
	[smem:$0x3FD2] =	sst s25  }
0xa6: {  	s5 =	sshll.u32 s26, $0x1;
	_ =	strace $0x80000049;
	[dreg:$0x1] =	wrdreg $0xFFFFFFFF  }
0xa7: {  	s28 =	simm.s32 $_size_execute0_lowered;
	s3 =	sadd.s32 s3, s5;
	[dreg:$0x0] =	wrdreg $0x0  }
0xa8: {  	s5 =	sshll.u32 s28, $0x1;
	[dreg:$0x2] =	wrdreg s3  }
0xa9: {  	[dreg:$0x3] =	wrdreg s5  }
0xaa: {  	[dreg:$0x4] =	wrdreg $0xC0  }
0xab: {  	_ =	task [dreg:s7], $0x5FFFF  }
0xac: {  	[dreg:$0x1] =	wrdreg $0xFFFFFFFF  }
0xad: {  	[dreg:$0x0] =	wrdreg $0x60  }
0xae: {  	[dreg:$0x2] =	wrdreg s24  }
0xaf: {  	[dreg:$0x3] =	wrdreg s2  }
0xb0: {  	[dreg:$0x4] =	wrdreg $0xB0000  }
0xb1: {  	[dreg:$0x5] =	wrdreg $0x9  }
0xb2: {  	_ =	task.clear_ibuf [dreg:s7], $0x6FFFF;
	_ =	strace $0x90000049  }
0xb3: {  	s29 =	simm.s32 $0x9;
	_ =	strace $0x8000004B  }
0xb4: {  	_ =	swait.ge [sflag:s29], $0x1  }
0xb5: {  	[sflag:s29] =	ssyncadd.s32 $0xFFFFFFFF  }
0xb6: {  	_ =	strace $0x9000004B  }
0xb7: {  	_ =	sfence  }
0xb8: {  	s30 =	sld [smem:$0x0];
	_ =	sdelay $0x2  }
0xb9: {  	s31 =	sshll.u32 s1, $0xD;
	s1 =	sshrl.u32 s1, $0x2  }
0xba: {  	s3 =	sand.u32 $0x4000, s31;
	s1 =	sadd.s32 s1, s30  }
0xbb: {  	s0 =	sor.u32 s3, s0;
	s1 =	sshll.u32 s1, $0x11  }
0xbc: {  	s0 =	sor.u32 s1, s0  }
0xbd: {  	s0 =	sadd.s32 $0x8F2B, s0  }
0xbe: {  	[sflag:s0] =	ssyncadd.remote.s32 $0x1  }
0xbf: {  	_ =	sfence.sel $0xFFFF  }
0xc0: {  	[dreg:$0x0] =	wrdreg $0xFFFFFFFF;
	(pc) =	sbr.abs _section_cstart, $3  }
0xc1: {  	[dreg:$0x1] =	wrdreg $0xFFFFFFFF  }
0xc2: {  	_ =	task.clear_ibuf [dreg:s7], $0x2FFFF;
	_ =	strace $0x9FFFFFFF  }
0xc3: {  	(tm) =	ssettm $0x7FFFFFFF  }
tec
execute0_lowered:
.L_overlay_start_1:
0x0: {  	(tag) =	ssettag $0x1  }
0x1: {  	s7 =	rddreg [dreg:$0x0]  }
0x2: {  	s0 =	srdreg.scid;
	s2 =	rddreg [dreg:$0x1]  }
0x3: {  	s3 =	rddreg [dreg:$0x2];
	s4 =	simm.s32 $0x0;
	s14 =	simm.s32 $0x7D  }
0x4: {  	s15 =	simm.s32 $0x3000;
	s16 =	simm.s32 $0x80;
	s17 =	simm.s32 $0x7000  }
0x5: {  	s18 =	simm.s32 $0x2800;
	s19 =	simm.s32 $0x1;
	s20 =	simm.s32 $0x2  }
0x6: {  	s21 =	simm.s32 $0x0;
	s6 =	sand.u32 $0x1, s0;
	s0 =	stileid.u32  }
0x7: {  	[smem:$0x7FF] =	sst s4;
	s5 =	sadd.s32 $0x5400, s7;
	s10 =	smul.u32 $0x13C000, s6  }
0x8: {  	s1 =	sshll.u32 s6, $0x4;
	s11 =	smul.u32 $0x13C00, s0;
	_ =	strace $0x8000004A  }
0x9: {  	s29 =	ssub.s32 $0x2, s6;
	s13 =	smul.u32 $0x4F000, s0;
	s6 =	sadd.s32 $0x2C00, s7  }
0xa: {  	s31 =	sshll.u32 s0, $0x6;
	s8 =	sor.u32 s0, s1;
	s12 =	sshrl.u32 s29, $0x1  }
0xb: {  	s9 =	smul.u32 $0x500, s8;
	s10 =	sadd.s32 s11, s10;
	s11 =	ssub.s32 s29, s12  }
0xc: {  	s30 =	sshrl.u32 s13, $0x2;
	s12 =	sor.u32 $0x1C03, s31;
	s10 =	sshrl.u32 s10, $0x3  }
0xd: {  	s13 =	sadd.s32 s30, s3;
	s9 =	sadd.s32 s9, s7;
	s10 =	sadd.s32 s10, s7  }
0xe: {  	s7 =	smul.u32 $0x50, s8;
	s13 =	sshrl.u32 s13, $0x3;
	s8 =	sadd.s32 $0x54400, s9  }
0xf: {  	s9 =	sadd.s32 $0x5E400, s10;
	s10 =	smax.u32 s11, $0x1;
	s11 =	simm.s32 $0x3  }
.LBB2_1:
0x10: {  	[tilespmem:s4], [sflag:$0x3] =	stream.linear.gather [hbm4b:s8+s4], $0x2800, $0x38;
	[tilespmem:$0x1EC00] =	vst v63  }
0x11: {  	_ =	swait.ge [sflag:s11], $0x2800  }
0x12: {  	[sflag:s11] =	ssyncset.done $0x0  }
0x13: {  	[sflag:s11] =	ssyncadd.s32 $0xFFFFD800  }
0x14: {  	[spmem:s13], [sflag:s12] =	dma.local [hbm:s6], $0x2780  }
0x15: {  	_ =	swait.ge [sflag:s11], $0x2780  }
0x16: {  	[sflag:s11] =	ssyncset.done $0x0  }
0x17: {  	[sflag:s11] =	ssyncadd.s32 $0xFFFFD880  }
0x18: {  	[bflag:$0x0] =	sbarrier.arrive $0xFFFF  }
0x19: {  	[tilespmem:s15], [sflag:$0x1] =	stream.indirect.gather [hbm4b:s5+s14], $0x80, s4, s14, $0xb8;
	[tilespmem:$0x1EC00] =	vst v63  }
0x1a: {  	s22 =	simm.s32 $0x0;
	s23 =	simm.s32 $0x0;
	s24 =	simm.s32 $0x0  }
0x1b: {  	[tilespmem:s17], [sflag:$0x2] =	stream.indirect.gather [hbm4b:s5+s14], $0x80, s16, s14, $0xb8;
	[tilespmem:$0x1EC00] =	vst v63  }
.LBB2_2:
0x1c: {  	s25 =	sshll.u32 s24, $0x4  }
0x1d: {  	s25 =	sadd.s32 s7, s25  }
0x1e: {  	s25 =	sshll.u32 s25, $0x4  }
0x1f: {  	s26 =	simm.s32 $0x0;
	s25 =	sadd.s32 s2, s25  }
0x20: {  	[tilespmem:s18], [sflag:$0x3] =	stream.linear.gather [hbm4b:s25+s26], $0x800, $0x38;
	[tilespmem:$0x1EC00] =	vst v63  }
0x21: {  	_ =	swait.ge [sflag:s11], $0x800  }
0x22: {  	[sflag:s11] =	ssyncset.done $0x0  }
0x23: {  	[sflag:s11] =	ssyncadd.s32 $0xFFFFF800  }
0x24: {  	_ =	swait.ge [sflag:s19], $0x3E80  }
0x25: {  	[sflag:s19] =	ssyncset.done $0x0  }
0x26: {  	s26 =	simm.s32 $0x2800;
	[sflag:s19] =	ssyncadd.s32 $0xFFFFC180  }
0x27: {  	[spmem:s3] =	stream.indirect.scatter.add.f32 [tilespmem:s15], [sflag:$0x3], $0x80, s26, s14, $0xb8;
	[tilespmem:$0x1EC00] =	vst v63  }
0x28: {  	p0 =	sgt.u32 s22, $0x4D;
	_ =	swait.ge [sflag:s11], $0x3E80  }
0x29: {  	s28 =	simm.s32 @!p0 $0x7D;
	s25 =	sadd.s32 @!p0 $0x0, s23;
	[sflag:s11] =	ssyncset.done $0x0  }
0x2a: {  	s25 =	sadd.s32 @!p0 $0x100, s25;
	s26 =	simm.s32 @!p0 $0x3000;
	[sflag:s11] =	ssyncadd.s32 $0xFFFFC180  }
0x2b: {  	[tilespmem:s26], [sflag:$0x1] =	stream.indirect.gather @!p0 [hbm4b:s5+s28], $0x80, s25, s28, $0xb8;
	[tilespmem:$0x1EC00] =	vst v63  }
0x2c: {  	_ =	swait.ge [sflag:s20], $0x3E80  }
0x2d: {  	[sflag:s20] =	ssyncset.done $0x0  }
0x2e: {  	s31 =	simm.s32 $0x2880;
	p1 =	sgt.u32 s22, $0x4C;
	[sflag:s20] =	ssyncadd.s32 $0xFFFFC180  }
0x2f: {  	[spmem:s3] =	stream.indirect.scatter.add.f32 [tilespmem:s17], [sflag:$0x3], $0x80, s31, s14, $0xb8;
	[tilespmem:$0x1EC00] =	vst v63  }
0x30: {  	s29 =	sadd.s32 @!p1 $0x0, s23;
	s30 =	simm.s32 @!p1 $0x7D;
	_ =	swait.ge [sflag:s11], $0x3E80  }
0x31: {  	s29 =	sadd.s32 @!p1 $0x180, s29;
	s25 =	simm.s32 $0x400;
	[sflag:s11] =	ssyncset.done $0x0  }
0x32: {  	s26 =	sadd.s32 $0x2, s22;
	s28 =	simm.s32 @!p1 $0x7000;
	[sflag:s11] =	ssyncadd.s32 $0xFFFFC180  }
.LBB2_3:
0x33: {  	[tilespmem:s28], [sflag:$0x2] =	stream.indirect.gather @!p1 [hbm4b:s5+s30], $0x80, s29, s30, $0xb8;
	[tilespmem:$0x1EC00] =	vst v63  }
0x34: {  	s28 =	smov.u32 s25;
	s25 =	sadd.s32 $0x400, s25;
	_ =	swait.ge [sflag:s19], $0x3E80  }
0x35: {  	s29 =	sshra.s32 s28, $0x2;
	p0 =	sne.s32 s25, $0x2000;
	[sflag:s19] =	ssyncset.done $0x0  }
0x36: {  	p1 =	sgt.u32 s26, $0x4D;
	s30 =	sadd.s32 $0x2800, s29;
	[sflag:s19] =	ssyncadd.s32 $0xFFFFC180  }
0x37: {  	[spmem:s3] =	stream.indirect.scatter.add.f32 [tilespmem:s15], [sflag:$0x3], $0x80, s30, s14, $0xb8;
	[tilespmem:$0x1EC00] =	vst v63  }
0x38: {  	s30 =	sshra.s32 @!p1 s28, $0x2;
	_ =	swait.ge [sflag:s11], $0x3E80  }
0x39: {  	s31 =	simm.s32 @!p1 $0x3000;
	s30 =	sadd.s32 @!p1 s30, s23;
	[sflag:s11] =	ssyncset.done $0x0  }
0x3a: {  	s1 =	simm.s32 @!p1 $0x7D;
	s30 =	sadd.s32 @!p1 $0x100, s30;
	[sflag:s11] =	ssyncadd.s32 $0xFFFFC180  }
0x3b: {  	[tilespmem:s31], [sflag:$0x1] =	stream.indirect.gather @!p1 [hbm4b:s5+s1], $0x80, s30, s1, $0xb8;
	[tilespmem:$0x1EC00] =	vst v63  }
0x3c: {  	_ =	swait.ge [sflag:s20], $0x3E80  }
0x3d: {  	p1 =	sgt.u32 s26, $0x4C;
	[sflag:s20] =	ssyncset.done $0x0  }
.Ltmp0:
0x3e: {  	s1 =	sadd.s32 $0x2880, s29;
	[sflag:s20] =	ssyncadd.s32 $0xFFFFC180;
	(pc) =	sbr.rel @p0 .LBB2_3-.Ltmp0, $4  }
0x3f: {  	[spmem:s3] =	stream.indirect.scatter.add.f32 [tilespmem:s17], [sflag:$0x3], $0x80, s1, s14, $0xb8;
	[tilespmem:$0x1EC00] =	vst v63  }
0x40: {  	s26 =	sadd.s32 $0x2, s26;
	s1 =	sshra.s32 @!p1 s28, $0x2;
	_ =	swait.ge [sflag:s11], $0x3E80  }
0x41: {  	s28 =	simm.s32 @!p1 $0x7000;
	s1 =	sadd.s32 @!p1 s1, s23;
	[sflag:s11] =	ssyncset.done $0x0  }
0x42: {  	s30 =	simm.s32 @!p1 $0x7D;
	s29 =	sadd.s32 @!p1 $0x180, s1;
	[sflag:s11] =	ssyncadd.s32 $0xFFFFC180  }
0x43: {  	s24 =	sadd.s32 $0x1, s24  }
0x44: {  	p0 =	sne.s32 s24, $0x5  }
.Ltmp1:
0x45: {  	_ = 	snop;
	(pc) =	sbr.rel @p0 .LBB2_2-.Ltmp1, $3  }
0x46: {  	_ =	sdelay $0x1  }
0x47: {  	[tilespmem:s28], [sflag:$0x2] =	stream.indirect.gather @!p1 [hbm4b:s5+s30], $0x80, s29, s30, $0xb8;
	[tilespmem:$0x1EC00] =	vst v63  }
0x48: {  	s23 =	sadd.s32 $0x800, s23;
	s22 =	sadd.s32 $0x10, s22  }
0x49: {  	s21 =	sadd.s32 $0x1, s21  }
0x4a: {  	p0 =	sne.s32 s21, s10  }
.Ltmp2:
0x4b: {  	[bflag:$0x0] =	sbarrier.arrive $0xFFFF;
	(pc) =	sbr.rel @p0 .LBB2_1-.Ltmp2, $4  }
0x4c: {  	[hbm:s9], [sflag:s12] =	dma.local [spmem:s13], $0x2780  }
0x4d: {  	_ =	swait.ge [sflag:s11], $0x2780  }
0x4e: {  	[sflag:s11] =	ssyncset.done $0x0  }
0x4f: {  	[sflag:s11] =	ssyncadd.s32 $0xFFFFD880  }
0x50: {  	_ =	sfence.sel $0x180000  }
0x51: {  	[bflag:$0x0] =	sbarrier.arrive $0xFFFF  }
0x52: {  	_ =	strace $0x9000004A  }
0x53: {  	[bflag:$0x2] =	sbarrier.arrive $0xFFFF  }
0x54: {  	p0 =	sne.s32 s0, $0x0;
	s0 =	rddreg [dreg:$0x3]  }
0x55: {  	s0 =	sadd.s32 @!p0 $0x100000, s0  }
0x56: {  	[sflag:s0] =	ssyncadd.tile.s32 @!p0 $0x1;
	_ =	shalt  }
.Lfunc_end2:
_tile_overlayer_lowered:
.L_overlay_start_2:
0x57: {  	(tag) =	ssettag $0x2  }
0x58: {  	s0 =	rddreg [dreg:$0x0];
	s2 =	stileid.u32  }
0x59: {  	s1 =	rddreg [dreg:$0x1];
	p0 =	sne.s32 s2, $0x0  }
0x5a: {  	s3 =	rddreg [dreg:$0x2];
	[bflag:$0x3] =	sbarrier.arrive $0xFFFF;
	s2 =	simm.s32 @!p0 $0x1C03  }
0x5b: {  	[timem:s3], [sflag:s2] =	dma.local @!p0 [hbm:s0], s1  }
0x5c: {  	s0 =	simm.s32 @!p0 $0x3  }
0x5d: {  	_ =	swait.ge @!p0 [sflag:s0], s1  }
0x5e: {  	s1 =	ssub.s32 @!p0 $0x0, s1;
	[sflag:s0] =	ssyncset.done @!p0 $0x0  }
0x5f: {  	[sflag:s0] =	ssyncadd.s32 @!p0 s1  }
0x60: {  	[bflag:$0x3] =	sbarrier.arrive $0xFFFF  }
0x61: {  	_ =	shalt  }

// kernel: kernel.14.cloned.1.call-start
scs
__scs_entry_jumppad:
0x0: {  	(pc) =	sbr.rel $0x88, $3  }
0x1: {  	(tag) =	ssettag $0x0;
	lr =	simm.s32 $0x1  }
0x2: {  	[smem:$0x3F9B] =	sst lr;
	_ =	strace $0xD0000000  }
0x3: {  	_ = 	snop  }
0x4: {  	_ = 	snop  }
0x5: {  	_ = 	snop  }
0x6: {  	_ = 	snop  }
0x7: {  	_ = 	snop  }
__scs_overlays_trampoline_lowered:
0x8: {  	[smem:$0x3FAA] =	sst s0  }
0x9: {  	[smem:$0x3FAB] =	sst s1  }
0xa: {  	[smem:$0x3FAC] =	sst s2  }
0xb: {  	[smem:$0x3FAD] =	sst s3  }
0xc: {  	[smem:$0x3FAE] =	sst s4  }
0xd: {  	[smem:$0x3FAF] =	sst s5  }
0xe: {  	[smem:$0x3FB0] =	sst s6  }
0xf: {  	[smem:$0x3FB1] =	sst s7  }
0x10: {  	[smem:$0x3FB2] =	sst s8  }
0x11: {  	[smem:$0x3FB3] =	sst s9;
	s0 =	simm.s32 @!p0 $0x0  }
0x12: {  	s1 =	sld [smem:$0x3F99];
	s0 =	simm.s32 @p0 $0x1  }
0x13: {  	[smem:$0x3FB4] =	sst s0;
	s0 =	simm.s32 @!p1 $0x0  }
0x14: {  	s2 =	sld [smem:$0x3F98];
	s0 =	simm.s32 @p1 $0x1  }
0x15: {  	[smem:$0x3FB5] =	sst s0;
	s0 =	simm.s32 @!p2 $0x0  }
0x16: {  	s3 =	sld [smem:$0x3FDB];
	s0 =	simm.s32 @p2 $0x1  }
0x17: {  	s4 =	simm.s32 $0x1BF5;
	[smem:$0x3FB7] =	sst s0  }
0x18: {  	s0 =	sld [smem:$0x3F9A];
	_ =	swait.ge [sflag:s4], $0x0  }
0x19: {  	s7 =	sld [smem:$0x3F9B]  }
0x1a: {  	s8 =	sadd.s32 $0xFFFFE003, lr  }
0x1b: {  	s9 =	sadd.s32 $0xFFFFFEF7, lr;
	s5 =	simm.s32 $0xFFFFFFFF;
	p2 =	slt.u32 s8, $0xFFFFF086  }
0x1c: {  	p1 =	slt.u32 s9, $0xF7A;
	s5 =	simm.s32 @!p2 $0x0  }
0x1d: {  	s5 =	simm.s32 @p1 $0x1;
	p0 =	seq.s32 s7, s2  }
0x1e: {  	s7 =	smul.u32 @!p0 $0xF7A, s2;
	p2 =	seq.s32 @!p0 s5, $0x0  }
0x1f: {  	s9 =	smul.u32 $0xF7A, s1;
	s8 =	simm.s32 @!p0 $0x1BF5;
	p2 =	por !p2, p0  }
0x20: {  	[sflag:s8] =	ssyncset.s32 @!p0 $0xFFFFF086;
	s6 =	sadd.s32 @!p0 s3, s7;
	s7 =	simm.s32 @!p0 $0x108  }
0x21: {  	s3 =	sadd.s32 s3, s9;
	s6 =	sadd.s32 @!p0 $0x88, s6;
	s7 =	simm.s32 @p2 $0x1082  }
0x22: {  	[simem:s7], [sflag:s8] =	dma.local @!p0 [hbm:s6], $0xF7A  }
0x23: {  	s9 =	sor.u32 $0xD0000000, s2;
	s6 =	simm.s32 $0x108;
	_ =	swait.ge @!p0 [sflag:s8], $0x0  }
0x24: {  	s3 =	sadd.s32 $0x88, s3;
	s6 =	simm.s32 @!p1 $0x1082;
	[sflag:s4] =	ssyncset.s32 $0xFFFFF086  }
0x25: {  	[simem:s6], [sflag:s4] =	dma.local [hbm:s3], $0xF7A  }
0x26: {  	[smem:$0x3F9B] =	sst s1;
	(tag) =	ssettag s2;
	_ =	strace s9  }
0x27: {  	s1 =	sld [smem:$0x3FAB]  }
0x28: {  	s2 =	sld [smem:$0x3FAC]  }
0x29: {  	s4 =	sld [smem:$0x3FAE]  }
0x2a: {  	p0 =	seq.s32 s5, $0x0;
	s5 =	sld [smem:$0x3FAF]  }
0x2b: {  	s6 =	sld [smem:$0x3FB0]  }
0x2c: {  	s7 =	sld [smem:$0x3FB1]  }
0x2d: {  	s3 =	simm.s32 $0x108;
	s8 =	sld [smem:$0x3FB2]  }
0x2e: {  	s3 =	simm.s32 @!p0 $0x1082;
	s9 =	sld [smem:$0x3FB3]  }
0x2f: {  	lr =	sadd.s32 s0, s3;
	s0 =	sld [smem:$0x3FAA]  }
0x30: {  	s3 =	sld [smem:$0x3FAD]  }
0x31: {  	[smem:$0x3FB6] =	sst s10  }
0x32: {  	s10 =	sld [smem:$0x3FB4];
	_ =	sdelay $0x3  }
0x33: {  	p0 =	seq.s32 s10, $0x1;
	s10 =	sld [smem:$0x3FB6];
	_ =	sdelay $0x3  }
0x34: {  	[smem:$0x3FB6] =	sst s10  }
0x35: {  	s10 =	sld [smem:$0x3FB5];
	_ =	sdelay $0x3  }
0x36: {  	p1 =	seq.s32 s10, $0x1;
	s10 =	sld [smem:$0x3FB6];
	_ =	sdelay $0x3  }
0x37: {  	[smem:$0x3FB6] =	sst s10  }
0x38: {  	s10 =	sld [smem:$0x3FB7]  }
0x39: {  	_ = 	snop;
	(pc) =	sbr.ind lr, $3  }
0x3a: {  	_ = 	snop  }
0x3b: {  	_ = 	snop  }
0x3c: {  	p2 =	seq.s32 s10, $0x1;
	s10 =	sld [smem:$0x3FB6]  }
0x3d: {  	_ =	shalt  }
0x3e: {  	_ =	shalt  }
0x3f: {  	_ =	shalt  }
0x40: {  	_ =	shalt  }
0x41: {  	_ =	shalt  }
0x42: {  	_ =	shalt  }
0x43: {  	_ =	shalt  }
0x44: {  	_ =	shalt  }
0x45: {  	_ =	shalt  }
0x46: {  	_ =	shalt  }
0x47: {  	_ =	shalt  }
0x48: {  	_ =	shalt  }
0x49: {  	_ =	shalt  }
0x4a: {  	_ =	shalt  }
0x4b: {  	_ =	shalt  }
0x4c: {  	_ =	shalt  }
0x4d: {  	_ =	shalt  }
0x4e: {  	_ =	shalt  }
0x4f: {  	_ =	shalt  }
0x50: {  	_ =	shalt  }
0x51: {  	_ =	shalt  }
0x52: {  	_ =	shalt  }
0x53: {  	_ =	shalt  }
0x54: {  	_ =	shalt  }
0x55: {  	_ =	shalt  }
0x56: {  	_ =	shalt  }
0x57: {  	_ =	shalt  }
0x58: {  	_ =	shalt  }
0x59: {  	_ =	shalt  }
0x5a: {  	_ =	shalt  }
0x5b: {  	_ =	shalt  }
0x5c: {  	_ =	shalt  }
0x5d: {  	_ =	shalt  }
0x5e: {  	_ =	shalt  }
0x5f: {  	_ =	shalt  }
0x60: {  	_ =	shalt  }
0x61: {  	_ =	shalt  }
0x62: {  	_ =	shalt  }
0x63: {  	_ =	shalt  }
0x64: {  	_ =	shalt  }
0x65: {  	_ =	shalt  }
0x66: {  	_ =	shalt  }
0x67: {  	_ =	shalt  }
0x68: {  	_ =	shalt  }
0x69: {  	_ =	shalt  }
0x6a: {  	_ =	shalt  }
0x6b: {  	_ =	shalt  }
0x6c: {  	_ =	shalt  }
0x6d: {  	_ =	shalt  }
0x6e: {  	_ =	shalt  }
0x6f: {  	_ =	shalt  }
0x70: {  	_ =	shalt  }
0x71: {  	_ =	shalt  }
0x72: {  	_ =	shalt  }
0x73: {  	_ =	shalt  }
0x74: {  	_ =	shalt  }
0x75: {  	_ =	shalt  }
0x76: {  	_ =	shalt  }
0x77: {  	_ =	shalt  }
0x78: {  	_ =	shalt  }
0x79: {  	_ =	shalt  }
0x7a: {  	_ =	shalt  }
0x7b: {  	_ =	shalt  }
0x7c: {  	_ =	shalt  }
0x7d: {  	_ =	shalt  }
0x7e: {  	_ =	shalt  }
0x7f: {  	_ =	shalt  }
0x80: {  	_ =	shalt  }
0x81: {  	_ =	shalt  }
0x82: {  	_ =	shalt  }
0x83: {  	_ =	shalt  }
0x84: {  	_ =	shalt  }
0x85: {  	_ =	shalt  }
0x86: {  	_ =	shalt  }
0x87: {  	_ =	shalt  }
.Lfunc_end0:
.L_simem_size_0:
called_computation.2_lowered:
.L_overlay_start_0:
0x88: {  	s2 =	sld [smem:$0x3FD9]  }
0x89: {  	s3 =	sld [smem:$0x3FFE];
	_ =	sdelay $0x1  }
0x8a: {  	s1 =	srdreg.scid  }
0x8b: {  	s0 =	sand.u32 $0x1, s1  }
0x8c: {  	s17 =	sshll.u32 s0, $0xA;
	s2 =	sadd.s32 s3, s2  }
0x8d: {  	s2 =	sadd.s32 s2, s17  }
0x8e: {  	[smem:$0x3FC2] =	sst s2  }
0x8f: {  	_ = 	snop  }
0x90: {  	s2 =	sld [smem:$0x3FD0];
	(tm) =	ssettm $0x1  }
0x91: {  	s18 =	sld [smem:$0x3FFB];
	_ =	sdelay $0x3  }
0x92: {  	_ =	strace s18  }
0x93: {  	s3 =	sld [smem:$0x3FFC];
	_ =	sdelay $0x3  }
0x94: {  	_ =	strace s3  }
0x95: {  	s3 =	sld [smem:$0x3FFD];
	_ =	sdelay $0x3  }
0x96: {  	_ =	strace s3  }
0x97: {  	_ =	strace $0x8FFFFFFF  }
0x98: {  	s19 =	sld [smem:$0x3FDB];
	_ =	sdelay $0x1  }
0x99: {  	s4 =	simm.s32 $_scs_section_size  }
0x9a: {  	s5 =	simm.s32 $_size__tile_overlayer_lowered;
	s6 =	simm.s32 $_tile_overlayer_lowered  }
0x9b: {  	s22 =	simm.s32 $0x1BFF;
	s21 =	sshll.u32 s6, $0x1;
	s3 =	sadd.s32 s4, s19  }
0x9c: {  	s7 =	simm.s32 $0x0;
	s20 =	sshll.u32 s5, $0x1;
	s5 =	sadd.s32 s21, s3  }
0x9d: {  	[timem:s7], [sflag:s22] =	dma.local [hbm:s5], s20  }
0x9e: {  	_ =	swait.ge [sflag:s22], s20  }
0x9f: {  	s4 =	ssub.s32 $0x0, s20;
	[sflag:s22] =	ssyncset.done $0x0  }
0xa0: {  	[sflag:s22] =	ssyncadd.s32 s4;
	_ =	sdelay $0x1  }
0xa1: {  	s23 =	simm.s32 $0x1B8B  }
0xa2: {  	_ =	swait.ge [sflag:s23], $0x1  }
0xa3: {  	[sflag:s23] =	ssyncset.done $0x0  }
0xa4: {  	s25 =	simm.s32 $0x1B8E;
	s24 =	sld [smem:$0x3FFE];
	[sflag:s23] =	ssyncadd.s32 $0xFFFFFFFF  }
0xa5: {  	s26 =	simm.s32 $execute0_lowered;
	[smem:$0x3FD2] =	sst s25  }
0xa6: {  	s5 =	sshll.u32 s26, $0x1;
	_ =	strace $0x8000004C;
	[dreg:$0x1] =	wrdreg $0xFFFFFFFF  }
0xa7: {  	s28 =	simm.s32 $_size_execute0_lowered;
	s3 =	sadd.s32 s3, s5;
	[dreg:$0x0] =	wrdreg $0x0  }
0xa8: {  	s5 =	sshll.u32 s28, $0x1;
	[dreg:$0x2] =	wrdreg s3  }
0xa9: {  	[dreg:$0x3] =	wrdreg s5  }
0xaa: {  	[dreg:$0x4] =	wrdreg $0xC0  }
0xab: {  	_ =	task [dreg:s7], $0x5FFFF  }
0xac: {  	[dreg:$0x1] =	wrdreg $0xFFFFFFFF  }
0xad: {  	[dreg:$0x0] =	wrdreg $0x60  }
0xae: {  	[dreg:$0x2] =	wrdreg s24  }
0xaf: {  	[dreg:$0x3] =	wrdreg s2  }
0xb0: {  	[dreg:$0x4] =	wrdreg $0xB0000  }
0xb1: {  	[dreg:$0x5] =	wrdreg $0x9  }
0xb2: {  	_ =	task.clear_ibuf [dreg:s7], $0x6FFFF;
	_ =	strace $0x9000004C  }
0xb3: {  	s29 =	simm.s32 $0x9;
	_ =	strace $0x8000004E  }
0xb4: {  	_ =	swait.ge [sflag:s29], $0x1  }
0xb5: {  	[sflag:s29] =	ssyncadd.s32 $0xFFFFFFFF  }
0xb6: {  	_ =	strace $0x9000004E  }
0xb7: {  	_ =	sfence  }
0xb8: {  	s30 =	sld [smem:$0x0];
	_ =	sdelay $0x2  }
0xb9: {  	s31 =	sshll.u32 s1, $0xD;
	s1 =	sshrl.u32 s1, $0x2  }
0xba: {  	s3 =	sand.u32 $0x4000, s31;
	s1 =	sadd.s32 s1, s30  }
0xbb: {  	s0 =	sor.u32 s3, s0;
	s1 =	sshll.u32 s1, $0x11  }
0xbc: {  	s0 =	sor.u32 s1, s0  }
0xbd: {  	s0 =	sadd.s32 $0x8F2B, s0  }
0xbe: {  	[sflag:s0] =	ssyncadd.remote.s32 $0x1  }
0xbf: {  	_ =	sfence.sel $0xFFFF  }
0xc0: {  	[dreg:$0x0] =	wrdreg $0xFFFFFFFF;
	(pc) =	sbr.abs _section_cstart, $3  }
0xc1: {  	[dreg:$0x1] =	wrdreg $0xFFFFFFFF  }
0xc2: {  	_ =	task.clear_ibuf [dreg:s7], $0x2FFFF;
	_ =	strace $0x9FFFFFFF  }
0xc3: {  	(tm) =	ssettm $0x7FFFFFFF  }
tec
execute0_lowered:
.L_overlay_start_1:
0x0: {  	(tag) =	ssettag $0x1  }
0x1: {  	s7 =	rddreg [dreg:$0x0]  }
0x2: {  	s0 =	srdreg.scid;
	s2 =	rddreg [dreg:$0x1]  }
0x3: {  	s3 =	rddreg [dreg:$0x2];
	s4 =	simm.s32 $0x0;
	s14 =	simm.s32 $0x7D  }
0x4: {  	s15 =	simm.s32 $0x3000;
	s16 =	simm.s32 $0x80;
	s17 =	simm.s32 $0x7000  }
0x5: {  	s18 =	simm.s32 $0x2800;
	s19 =	simm.s32 $0x1;
	s20 =	simm.s32 $0x2  }
0x6: {  	s21 =	simm.s32 $0x0;
	s6 =	sand.u32 $0x1, s0;
	s0 =	stileid.u32  }
0x7: {  	[smem:$0x7FF] =	sst s4;
	s5 =	sadd.s32 $0x5400, s7;
	s10 =	smul.u32 $0x13C000, s6  }
0x8: {  	s1 =	sshll.u32 s6, $0x4;
	s11 =	smul.u32 $0x13C00, s0;
	_ =	strace $0x8000004D  }
0x9: {  	s29 =	ssub.s32 $0x2, s6;
	s13 =	smul.u32 $0x4F000, s0;
	s6 =	sadd.s32 $0x2C00, s7  }
0xa: {  	s31 =	sshll.u32 s0, $0x6;
	s8 =	sor.u32 s0, s1;
	s12 =	sshrl.u32 s29, $0x1  }
0xb: {  	s9 =	smul.u32 $0x500, s8;
	s10 =	sadd.s32 s11, s10;
	s11 =	ssub.s32 s29, s12  }
0xc: {  	s30 =	sshrl.u32 s13, $0x2;
	s12 =	sor.u32 $0x1C03, s31;
	s10 =	sshrl.u32 s10, $0x3  }
0xd: {  	s13 =	sadd.s32 s30, s3;
	s9 =	sadd.s32 s9, s7;
	s10 =	sadd.s32 s10, s7  }
0xe: {  	s7 =	smul.u32 $0x50, s8;
	s13 =	sshrl.u32 s13, $0x3;
	s8 =	sadd.s32 $0x54400, s9  }
0xf: {  	s9 =	sadd.s32 $0x5E400, s10;
	s10 =	smax.u32 s11, $0x1;
	s11 =	simm.s32 $0x3  }
.LBB2_1:
0x10: {  	[tilespmem:s4], [sflag:$0x3] =	stream.linear.gather [hbm4b:s8+s4], $0x2800, $0x38;
	[tilespmem:$0x1EC00] =	vst v63  }
0x11: {  	_ =	swait.ge [sflag:s11], $0x2800  }
0x12: {  	[sflag:s11] =	ssyncset.done $0x0  }
0x13: {  	[sflag:s11] =	ssyncadd.s32 $0xFFFFD800  }
0x14: {  	[spmem:s13], [sflag:s12] =	dma.local [hbm:s6], $0x2780  }
0x15: {  	_ =	swait.ge [sflag:s11], $0x2780  }
0x16: {  	[sflag:s11] =	ssyncset.done $0x0  }
0x17: {  	[sflag:s11] =	ssyncadd.s32 $0xFFFFD880  }
0x18: {  	[bflag:$0x0] =	sbarrier.arrive $0xFFFF  }
0x19: {  	[tilespmem:s15], [sflag:$0x1] =	stream.indirect.gather [hbm4b:s5+s14], $0x80, s4, s14, $0xb8;
	[tilespmem:$0x1EC00] =	vst v63  }
0x1a: {  	s22 =	simm.s32 $0x0;
	s23 =	simm.s32 $0x0;
	s24 =	simm.s32 $0x0  }
0x1b: {  	[tilespmem:s17], [sflag:$0x2] =	stream.indirect.gather [hbm4b:s5+s14], $0x80, s16, s14, $0xb8;
	[tilespmem:$0x1EC00] =	vst v63  }
.LBB2_2:
0x1c: {  	s25 =	sshll.u32 s24, $0x4  }
0x1d: {  	s25 =	sadd.s32 s7, s25  }
0x1e: {  	s25 =	sshll.u32 s25, $0x4  }
0x1f: {  	s26 =	simm.s32 $0x0;
	s25 =	sadd.s32 s2, s25  }
0x20: {  	[tilespmem:s18], [sflag:$0x3] =	stream.linear.gather [hbm4b:s25+s26], $0x800, $0x38;
	[tilespmem:$0x1EC00] =	vst v63  }
0x21: {  	_ =	swait.ge [sflag:s11], $0x800  }
0x22: {  	[sflag:s11] =	ssyncset.done $0x0  }
0x23: {  	[sflag:s11] =	ssyncadd.s32 $0xFFFFF800  }
0x24: {  	_ =	swait.ge [sflag:s19], $0x3E80  }
0x25: {  	[sflag:s19] =	ssyncset.done $0x0  }
0x26: {  	s26 =	simm.s32 $0x2800;
	[sflag:s19] =	ssyncadd.s32 $0xFFFFC180  }
0x27: {  	[spmem:s3] =	stream.indirect.scatter.add.f32 [tilespmem:s15], [sflag:$0x3], $0x80, s26, s14, $0xb8;
	[tilespmem:$0x1EC00] =	vst v63  }
0x28: {  	p0 =	sgt.u32 s22, $0x4D;
	_ =	swait.ge [sflag:s11], $0x3E80  }
0x29: {  	s28 =	simm.s32 @!p0 $0x7D;
	s25 =	sadd.s32 @!p0 $0x0, s23;
	[sflag:s11] =	ssyncset.done $0x0  }
0x2a: {  	s25 =	sadd.s32 @!p0 $0x100, s25;
	s26 =	simm.s32 @!p0 $0x3000;
	[sflag:s11] =	ssyncadd.s32 $0xFFFFC180  }
0x2b: {  	[tilespmem:s26], [sflag:$0x1] =	stream.indirect.gather @!p0 [hbm4b:s5+s28], $0x80, s25, s28, $0xb8;
	[tilespmem:$0x1EC00] =	vst v63  }
0x2c: {  	_ =	swait.ge [sflag:s20], $0x3E80  }
0x2d: {  	[sflag:s20] =	ssyncset.done $0x0  }
0x2e: {  	s31 =	simm.s32 $0x2880;
	p1 =	sgt.u32 s22, $0x4C;
	[sflag:s20] =	ssyncadd.s32 $0xFFFFC180  }
0x2f: {  	[spmem:s3] =	stream.indirect.scatter.add.f32 [tilespmem:s17], [sflag:$0x3], $0x80, s31, s14, $0xb8;
	[tilespmem:$0x1EC00] =	vst v63  }
0x30: {  	s29 =	sadd.s32 @!p1 $0x0, s23;
	s30 =	simm.s32 @!p1 $0x7D;
	_ =	swait.ge [sflag:s11], $0x3E80  }
0x31: {  	s29 =	sadd.s32 @!p1 $0x180, s29;
	s25 =	simm.s32 $0x400;
	[sflag:s11] =	ssyncset.done $0x0  }
0x32: {  	s26 =	sadd.s32 $0x2, s22;
	s28 =	simm.s32 @!p1 $0x7000;
	[sflag:s11] =	ssyncadd.s32 $0xFFFFC180  }
.LBB2_3:
0x33: {  	[tilespmem:s28], [sflag:$0x2] =	stream.indirect.gather @!p1 [hbm4b:s5+s30], $0x80, s29, s30, $0xb8;
	[tilespmem:$0x1EC00] =	vst v63  }
0x34: {  	s28 =	smov.u32 s25;
	s25 =	sadd.s32 $0x400, s25;
	_ =	swait.ge [sflag:s19], $0x3E80  }
0x35: {  	s29 =	sshra.s32 s28, $0x2;
	p0 =	sne.s32 s25, $0x2000;
	[sflag:s19] =	ssyncset.done $0x0  }
0x36: {  	p1 =	sgt.u32 s26, $0x4D;
	s30 =	sadd.s32 $0x2800, s29;
	[sflag:s19] =	ssyncadd.s32 $0xFFFFC180  }
0x37: {  	[spmem:s3] =	stream.indirect.scatter.add.f32 [tilespmem:s15], [sflag:$0x3], $0x80, s30, s14, $0xb8;
	[tilespmem:$0x1EC00] =	vst v63  }
0x38: {  	s30 =	sshra.s32 @!p1 s28, $0x2;
	_ =	swait.ge [sflag:s11], $0x3E80  }
0x39: {  	s31 =	simm.s32 @!p1 $0x3000;
	s30 =	sadd.s32 @!p1 s30, s23;
	[sflag:s11] =	ssyncset.done $0x0  }
0x3a: {  	s1 =	simm.s32 @!p1 $0x7D;
	s30 =	sadd.s32 @!p1 $0x100, s30;
	[sflag:s11] =	ssyncadd.s32 $0xFFFFC180  }
0x3b: {  	[tilespmem:s31], [sflag:$0x1] =	stream.indirect.gather @!p1 [hbm4b:s5+s1], $0x80, s30, s1, $0xb8;
	[tilespmem:$0x1EC00] =	vst v63  }
0x3c: {  	_ =	swait.ge [sflag:s20], $0x3E80  }
0x3d: {  	p1 =	sgt.u32 s26, $0x4C;
	[sflag:s20] =	ssyncset.done $0x0  }
.Ltmp0:
0x3e: {  	s1 =	sadd.s32 $0x2880, s29;
	[sflag:s20] =	ssyncadd.s32 $0xFFFFC180;
	(pc) =	sbr.rel @p0 .LBB2_3-.Ltmp0, $4  }
0x3f: {  	[spmem:s3] =	stream.indirect.scatter.add.f32 [tilespmem:s17], [sflag:$0x3], $0x80, s1, s14, $0xb8;
	[tilespmem:$0x1EC00] =	vst v63  }
0x40: {  	s26 =	sadd.s32 $0x2, s26;
	s1 =	sshra.s32 @!p1 s28, $0x2;
	_ =	swait.ge [sflag:s11], $0x3E80  }
0x41: {  	s28 =	simm.s32 @!p1 $0x7000;
	s1 =	sadd.s32 @!p1 s1, s23;
	[sflag:s11] =	ssyncset.done $0x0  }
0x42: {  	s30 =	simm.s32 @!p1 $0x7D;
	s29 =	sadd.s32 @!p1 $0x180, s1;
	[sflag:s11] =	ssyncadd.s32 $0xFFFFC180  }
0x43: {  	s24 =	sadd.s32 $0x1, s24  }
0x44: {  	p0 =	sne.s32 s24, $0x5  }
.Ltmp1:
0x45: {  	_ = 	snop;
	(pc) =	sbr.rel @p0 .LBB2_2-.Ltmp1, $3  }
0x46: {  	_ =	sdelay $0x1  }
0x47: {  	[tilespmem:s28], [sflag:$0x2] =	stream.indirect.gather @!p1 [hbm4b:s5+s30], $0x80, s29, s30, $0xb8;
	[tilespmem:$0x1EC00] =	vst v63  }
0x48: {  	s23 =	sadd.s32 $0x800, s23;
	s22 =	sadd.s32 $0x10, s22  }
0x49: {  	s21 =	sadd.s32 $0x1, s21  }
0x4a: {  	p0 =	sne.s32 s21, s10  }
.Ltmp2:
0x4b: {  	[bflag:$0x0] =	sbarrier.arrive $0xFFFF;
	(pc) =	sbr.rel @p0 .LBB2_1-.Ltmp2, $4  }
0x4c: {  	[hbm:s9], [sflag:s12] =	dma.local [spmem:s13], $0x2780  }
0x4d: {  	_ =	swait.ge [sflag:s11], $0x2780  }
0x4e: {  	[sflag:s11] =	ssyncset.done $0x0  }
0x4f: {  	[sflag:s11] =	ssyncadd.s32 $0xFFFFD880  }
0x50: {  	_ =	sfence.sel $0x180000  }
0x51: {  	[bflag:$0x0] =	sbarrier.arrive $0xFFFF  }
0x52: {  	_ =	strace $0x9000004D  }
0x53: {  	[bflag:$0x2] =	sbarrier.arrive $0xFFFF  }
0x54: {  	p0 =	sne.s32 s0, $0x0;
	s0 =	rddreg [dreg:$0x3]  }
0x55: {  	s0 =	sadd.s32 @!p0 $0x100000, s0  }
0x56: {  	[sflag:s0] =	ssyncadd.tile.s32 @!p0 $0x1;
	_ =	shalt  }
.Lfunc_end2:
_tile_overlayer_lowered:
.L_overlay_start_2:
0x57: {  	(tag) =	ssettag $0x2  }
0x58: {  	s0 =	rddreg [dreg:$0x0];
	s2 =	stileid.u32  }
0x59: {  	s1 =	rddreg [dreg:$0x1];
	p0 =	sne.s32 s2, $0x0  }
0x5a: {  	s3 =	rddreg [dreg:$0x2];
	[bflag:$0x3] =	sbarrier.arrive $0xFFFF;
	s2 =	simm.s32 @!p0 $0x1C03  }
0x5b: {  	[timem:s3], [sflag:s2] =	dma.local @!p0 [hbm:s0], s1  }
0x5c: {  	s0 =	simm.s32 @!p0 $0x3  }
0x5d: {  	_ =	swait.ge @!p0 [sflag:s0], s1  }
0x5e: {  	s1 =	ssub.s32 @!p0 $0x0, s1;
	[sflag:s0] =	ssyncset.done @!p0 $0x0  }
0x5f: {  	[sflag:s0] =	ssyncadd.s32 @!p0 s1  }
0x60: {  	[bflag:$0x3] =	sbarrier.arrive $0xFFFF  }
0x61: {  	_ =	shalt  }

// kernel: kernel.8.cloned.1.call-start
scs
__scs_entry_jumppad:
0x0: {  	(pc) =	sbr.rel $0x88, $3  }
0x1: {  	(tag) =	ssettag $0x0;
	lr =	simm.s32 $0x1  }
0x2: {  	[smem:$0x3F9B] =	sst lr;
	_ =	strace $0xD0000000  }
0x3: {  	_ = 	snop  }
0x4: {  	_ = 	snop  }
0x5: {  	_ = 	snop  }
0x6: {  	_ = 	snop  }
0x7: {  	_ = 	snop  }
__scs_overlays_trampoline_lowered:
0x8: {  	[smem:$0x3FAA] =	sst s0  }
0x9: {  	[smem:$0x3FAB] =	sst s1  }
0xa: {  	[smem:$0x3FAC] =	sst s2  }
0xb: {  	[smem:$0x3FAD] =	sst s3  }
0xc: {  	[smem:$0x3FAE] =	sst s4  }
0xd: {  	[smem:$0x3FAF] =	sst s5  }
0xe: {  	[smem:$0x3FB0] =	sst s6  }
0xf: {  	[smem:$0x3FB1] =	sst s7  }
0x10: {  	[smem:$0x3FB2] =	sst s8  }
0x11: {  	[smem:$0x3FB3] =	sst s9;
	s0 =	simm.s32 @!p0 $0x0  }
0x12: {  	s1 =	sld [smem:$0x3F99];
	s0 =	simm.s32 @p0 $0x1  }
0x13: {  	[smem:$0x3FB4] =	sst s0;
	s0 =	simm.s32 @!p1 $0x0  }
0x14: {  	s2 =	sld [smem:$0x3F98];
	s0 =	simm.s32 @p1 $0x1  }
0x15: {  	[smem:$0x3FB5] =	sst s0;
	s0 =	simm.s32 @!p2 $0x0  }
0x16: {  	s3 =	sld [smem:$0x3FDB];
	s0 =	simm.s32 @p2 $0x1  }
0x17: {  	s4 =	simm.s32 $0x1BF5;
	[smem:$0x3FB7] =	sst s0  }
0x18: {  	s0 =	sld [smem:$0x3F9A];
	_ =	swait.ge [sflag:s4], $0x0  }
0x19: {  	s7 =	sld [smem:$0x3F9B]  }
0x1a: {  	s8 =	sadd.s32 $0xFFFFE003, lr  }
0x1b: {  	s9 =	sadd.s32 $0xFFFFFEF7, lr;
	s5 =	simm.s32 $0xFFFFFFFF;
	p2 =	slt.u32 s8, $0xFFFFF086  }
0x1c: {  	p1 =	slt.u32 s9, $0xF7A;
	s5 =	simm.s32 @!p2 $0x0  }
0x1d: {  	s5 =	simm.s32 @p1 $0x1;
	p0 =	seq.s32 s7, s2  }
0x1e: {  	s7 =	smul.u32 @!p0 $0xF7A, s2;
	p2 =	seq.s32 @!p0 s5, $0x0  }
0x1f: {  	s9 =	smul.u32 $0xF7A, s1;
	s8 =	simm.s32 @!p0 $0x1BF5;
	p2 =	por !p2, p0  }
0x20: {  	[sflag:s8] =	ssyncset.s32 @!p0 $0xFFFFF086;
	s6 =	sadd.s32 @!p0 s3, s7;
	s7 =	simm.s32 @!p0 $0x108  }
0x21: {  	s3 =	sadd.s32 s3, s9;
	s6 =	sadd.s32 @!p0 $0x88, s6;
	s7 =	simm.s32 @p2 $0x1082  }
0x22: {  	[simem:s7], [sflag:s8] =	dma.local @!p0 [hbm:s6], $0xF7A  }
0x23: {  	s9 =	sor.u32 $0xD0000000, s2;
	s6 =	simm.s32 $0x108;
	_ =	swait.ge @!p0 [sflag:s8], $0x0  }
0x24: {  	s3 =	sadd.s32 $0x88, s3;
	s6 =	simm.s32 @!p1 $0x1082;
	[sflag:s4] =	ssyncset.s32 $0xFFFFF086  }
0x25: {  	[simem:s6], [sflag:s4] =	dma.local [hbm:s3], $0xF7A  }
0x26: {  	[smem:$0x3F9B] =	sst s1;
	(tag) =	ssettag s2;
	_ =	strace s9  }
0x27: {  	s1 =	sld [smem:$0x3FAB]  }
0x28: {  	s2 =	sld [smem:$0x3FAC]  }
0x29: {  	s4 =	sld [smem:$0x3FAE]  }
0x2a: {  	p0 =	seq.s32 s5, $0x0;
	s5 =	sld [smem:$0x3FAF]  }
0x2b: {  	s6 =	sld [smem:$0x3FB0]  }
0x2c: {  	s7 =	sld [smem:$0x3FB1]  }
0x2d: {  	s3 =	simm.s32 $0x108;
	s8 =	sld [smem:$0x3FB2]  }
0x2e: {  	s3 =	simm.s32 @!p0 $0x1082;
	s9 =	sld [smem:$0x3FB3]  }
0x2f: {  	lr =	sadd.s32 s0, s3;
	s0 =	sld [smem:$0x3FAA]  }
0x30: {  	s3 =	sld [smem:$0x3FAD]  }
0x31: {  	[smem:$0x3FB6] =	sst s10  }
0x32: {  	s10 =	sld [smem:$0x3FB4];
	_ =	sdelay $0x3  }
0x33: {  	p0 =	seq.s32 s10, $0x1;
	s10 =	sld [smem:$0x3FB6];
	_ =	sdelay $0x3  }
0x34: {  	[smem:$0x3FB6] =	sst s10  }
0x35: {  	s10 =	sld [smem:$0x3FB5];
	_ =	sdelay $0x3  }
0x36: {  	p1 =	seq.s32 s10, $0x1;
	s10 =	sld [smem:$0x3FB6];
	_ =	sdelay $0x3  }
0x37: {  	[smem:$0x3FB6] =	sst s10  }
0x38: {  	s10 =	sld [smem:$0x3FB7]  }
0x39: {  	_ = 	snop;
	(pc) =	sbr.ind lr, $3  }
0x3a: {  	_ = 	snop  }
0x3b: {  	_ = 	snop  }
0x3c: {  	p2 =	seq.s32 s10, $0x1;
	s10 =	sld [smem:$0x3FB6]  }
0x3d: {  	_ =	shalt  }
0x3e: {  	_ =	shalt  }
0x3f: {  	_ =	shalt  }
0x40: {  	_ =	shalt  }
0x41: {  	_ =	shalt  }
0x42: {  	_ =	shalt  }
0x43: {  	_ =	shalt  }
0x44: {  	_ =	shalt  }
0x45: {  	_ =	shalt  }
0x46: {  	_ =	shalt  }
0x47: {  	_ =	shalt  }
0x48: {  	_ =	shalt  }
0x49: {  	_ =	shalt  }
0x4a: {  	_ =	shalt  }
0x4b: {  	_ =	shalt  }
0x4c: {  	_ =	shalt  }
0x4d: {  	_ =	shalt  }
0x4e: {  	_ =	shalt  }
0x4f: {  	_ =	shalt  }
0x50: {  	_ =	shalt  }
0x51: {  	_ =	shalt  }
0x52: {  	_ =	shalt  }
0x53: {  	_ =	shalt  }
0x54: {  	_ =	shalt  }
0x55: {  	_ =	shalt  }
0x56: {  	_ =	shalt  }
0x57: {  	_ =	shalt  }
0x58: {  	_ =	shalt  }
0x59: {  	_ =	shalt  }
0x5a: {  	_ =	shalt  }
0x5b: {  	_ =	shalt  }
0x5c: {  	_ =	shalt  }
0x5d: {  	_ =	shalt  }
0x5e: {  	_ =	shalt  }
0x5f: {  	_ =	shalt  }
0x60: {  	_ =	shalt  }
0x61: {  	_ =	shalt  }
0x62: {  	_ =	shalt  }
0x63: {  	_ =	shalt  }
0x64: {  	_ =	shalt  }
0x65: {  	_ =	shalt  }
0x66: {  	_ =	shalt  }
0x67: {  	_ =	shalt  }
0x68: {  	_ =	shalt  }
0x69: {  	_ =	shalt  }
0x6a: {  	_ =	shalt  }
0x6b: {  	_ =	shalt  }
0x6c: {  	_ =	shalt  }
0x6d: {  	_ =	shalt  }
0x6e: {  	_ =	shalt  }
0x6f: {  	_ =	shalt  }
0x70: {  	_ =	shalt  }
0x71: {  	_ =	shalt  }
0x72: {  	_ =	shalt  }
0x73: {  	_ =	shalt  }
0x74: {  	_ =	shalt  }
0x75: {  	_ =	shalt  }
0x76: {  	_ =	shalt  }
0x77: {  	_ =	shalt  }
0x78: {  	_ =	shalt  }
0x79: {  	_ =	shalt  }
0x7a: {  	_ =	shalt  }
0x7b: {  	_ =	shalt  }
0x7c: {  	_ =	shalt  }
0x7d: {  	_ =	shalt  }
0x7e: {  	_ =	shalt  }
0x7f: {  	_ =	shalt  }
0x80: {  	_ =	shalt  }
0x81: {  	_ =	shalt  }
0x82: {  	_ =	shalt  }
0x83: {  	_ =	shalt  }
0x84: {  	_ =	shalt  }
0x85: {  	_ =	shalt  }
0x86: {  	_ =	shalt  }
0x87: {  	_ =	shalt  }
.Lfunc_end0:
.L_simem_size_0:
called_computation_lowered:
.L_overlay_start_0:
0x88: {  	s2 =	sld [smem:$0x3FD9]  }
0x89: {  	s3 =	sld [smem:$0x3FFE];
	_ =	sdelay $0x1  }
0x8a: {  	s1 =	srdreg.scid  }
0x8b: {  	s0 =	sand.u32 $0x1, s1  }
0x8c: {  	s17 =	sshll.u32 s0, $0xA;
	s2 =	sadd.s32 s3, s2  }
0x8d: {  	s2 =	sadd.s32 s2, s17  }
0x8e: {  	[smem:$0x3FC2] =	sst s2  }
0x8f: {  	_ = 	snop  }
0x90: {  	s2 =	sld [smem:$0x3FD0];
	(tm) =	ssettm $0x1  }
0x91: {  	s18 =	sld [smem:$0x3FFB];
	_ =	sdelay $0x3  }
0x92: {  	_ =	strace s18  }
0x93: {  	s3 =	sld [smem:$0x3FFC];
	_ =	sdelay $0x3  }
0x94: {  	_ =	strace s3  }
0x95: {  	s3 =	sld [smem:$0x3FFD];
	_ =	sdelay $0x3  }
0x96: {  	_ =	strace s3  }
0x97: {  	_ =	strace $0x8FFFFFFF  }
0x98: {  	s19 =	sld [smem:$0x3FDB];
	_ =	sdelay $0x1  }
0x99: {  	s4 =	simm.s32 $_scs_section_size  }
0x9a: {  	s5 =	simm.s32 $_size__tile_overlayer_lowered;
	s6 =	simm.s32 $_tile_overlayer_lowered  }
0x9b: {  	s22 =	simm.s32 $0x1BFF;
	s21 =	sshll.u32 s6, $0x1;
	s3 =	sadd.s32 s4, s19  }
0x9c: {  	s7 =	simm.s32 $0x0;
	s20 =	sshll.u32 s5, $0x1;
	s5 =	sadd.s32 s21, s3  }
0x9d: {  	[timem:s7], [sflag:s22] =	dma.local [hbm:s5], s20  }
0x9e: {  	_ =	swait.ge [sflag:s22], s20  }
0x9f: {  	s4 =	ssub.s32 $0x0, s20;
	[sflag:s22] =	ssyncset.done $0x0  }
0xa0: {  	[sflag:s22] =	ssyncadd.s32 s4;
	_ =	sdelay $0x1  }
0xa1: {  	s23 =	simm.s32 $0x1B8B  }
0xa2: {  	_ =	swait.ge [sflag:s23], $0x1  }
0xa3: {  	[sflag:s23] =	ssyncset.done $0x0  }
0xa4: {  	s25 =	simm.s32 $0x1B8E;
	s24 =	sld [smem:$0x3FFE];
	[sflag:s23] =	ssyncadd.s32 $0xFFFFFFFF  }
0xa5: {  	s26 =	simm.s32 $execute0_lowered;
	[smem:$0x3FD2] =	sst s25  }
0xa6: {  	s5 =	sshll.u32 s26, $0x1;
	_ =	strace $0x80000046;
	[dreg:$0x1] =	wrdreg $0xFFFFFFFF  }
0xa7: {  	s28 =	simm.s32 $_size_execute0_lowered;
	s3 =	sadd.s32 s3, s5;
	[dreg:$0x0] =	wrdreg $0x0  }
0xa8: {  	s5 =	sshll.u32 s28, $0x1;
	[dreg:$0x2] =	wrdreg s3  }
0xa9: {  	[dreg:$0x3] =	wrdreg s5  }
0xaa: {  	[dreg:$0x4] =	wrdreg $0xC0  }
0xab: {  	_ =	task [dreg:s7], $0x5FFFF  }
0xac: {  	[dreg:$0x1] =	wrdreg $0xFFFFFFFF  }
0xad: {  	[dreg:$0x0] =	wrdreg $0x60  }
0xae: {  	[dreg:$0x2] =	wrdreg s2  }
0xaf: {  	[dreg:$0x3] =	wrdreg s24  }
0xb0: {  	[dreg:$0x4] =	wrdreg $0x68000  }
0xb1: {  	[dreg:$0x5] =	wrdreg $0x9  }
0xb2: {  	_ =	task.clear_ibuf [dreg:s7], $0x6FFFF;
	_ =	strace $0x90000046  }
0xb3: {  	s29 =	simm.s32 $0x9;
	_ =	strace $0x80000048  }
0xb4: {  	_ =	swait.ge [sflag:s29], $0x1  }
0xb5: {  	[sflag:s29] =	ssyncadd.s32 $0xFFFFFFFF  }
0xb6: {  	_ =	strace $0x90000048  }
0xb7: {  	_ =	sfence  }
0xb8: {  	s30 =	sld [smem:$0x0];
	_ =	sdelay $0x2  }
0xb9: {  	s31 =	sshll.u32 s1, $0xD;
	s1 =	sshrl.u32 s1, $0x2  }
0xba: {  	s3 =	sand.u32 $0x4000, s31;
	s1 =	sadd.s32 s1, s30  }
0xbb: {  	s0 =	sor.u32 s3, s0;
	s1 =	sshll.u32 s1, $0x11  }
0xbc: {  	s0 =	sor.u32 s1, s0  }
0xbd: {  	s0 =	sadd.s32 $0x8F2B, s0  }
0xbe: {  	[sflag:s0] =	ssyncadd.remote.s32 $0x1  }
0xbf: {  	_ =	sfence.sel $0xFFFF  }
0xc0: {  	[dreg:$0x0] =	wrdreg $0xFFFFFFFF;
	(pc) =	sbr.abs _section_cstart, $3  }
0xc1: {  	[dreg:$0x1] =	wrdreg $0xFFFFFFFF  }
0xc2: {  	_ =	task.clear_ibuf [dreg:s7], $0x2FFFF;
	_ =	strace $0x9FFFFFFF  }
0xc3: {  	(tm) =	ssettm $0x7FFFFFFF  }
tec
execute0_lowered:
.L_overlay_start_1:
0x0: {  	(tag) =	ssettag $0x1  }
0x1: {  	s6 =	rddreg [dreg:$0x0]  }
0x2: {  	s7 =	rddreg [dreg:$0x1]  }
0x3: {  	s1 =	rddreg [dreg:$0x2]  }
0x4: {  	s0 =	rddreg [dreg:$0x3];
	s3 =	simm.s32 $0x0;
	s2 =	srdreg.scid  }
0x5: {  	s13 =	simm.s32 $0x7D;
	[smem:$0x7FF] =	sst s3;
	s8 =	sand.u32 $0x1, s2  }
0x6: {  	s14 =	simm.s32 $0x0;
	s2 =	stileid.u32;
	s9 =	smul.u32 $0x13C000, s8  }
0x7: {  	s4 =	sadd.s32 $0x2400, s7;
	s5 =	sadd.s32 $0x2C00, s7;
	s10 =	smul.u32 $0x13C00, s2  }
0x8: {  	_ =	strace $0x80000047;
	s11 =	sshll.u32 s8, $0x4;
	s29 =	smul.u32 $0x4F000, s2  }
0x9: {  	s8 =	ssub.s32 $0x2, s8;
	s31 =	sshll.u32 s2, $0x6;
	s28 =	sor.u32 s2, s11  }
0xa: {  	s30 =	sshrl.u32 s8, $0x1;
	s9 =	sadd.s32 s10, s9;
	s10 =	smul.u32 $0x500, s28  }
0xb: {  	s11 =	sshrl.u32 s29, $0x2;
	s8 =	ssub.s32 s8, s30;
	s9 =	sshrl.u32 s9, $0x3  }
0xc: {  	s12 =	sadd.s32 s11, s1;
	s8 =	smax.u32 s8, $0x1;
	s11 =	sor.u32 $0x1C01, s31  }
0xd: {  	s7 =	sadd.s32 s9, s7;
	s6 =	sadd.s32 s6, s10;
	s9 =	simm.s32 $0x1  }
0xe: {  	s10 =	simm.s32 $0x2800;
	s12 =	sshrl.u32 s12, $0x3;
	s7 =	sadd.s32 $0x5400, s7  }
.LBB2_1:
0xf: {  	[tilespmem:s3], [sflag:$0x1] =	stream.linear.gather [hbm4b:s6+s3], $0x2800, $0x38;
	[tilespmem:$0x1A400] =	vst v63  }
0x10: {  	_ =	swait.ge [sflag:s9], $0x2800  }
0x11: {  	[sflag:s9] =	ssyncset.done $0x0  }
0x12: {  	[sflag:s9] =	ssyncadd.s32 $0xFFFFD800  }
0x13: {  	[tilespmem:s10], [sflag:$0x1] =	stream.linear.gather [hbm4b:s4+s3], $0x3E80, $0x38;
	[tilespmem:$0x1A400] =	vst v63  }
0x14: {  	_ =	swait.ge [sflag:s9], $0x3E80  }
0x15: {  	[sflag:s9] =	ssyncset.done $0x0  }
0x16: {  	[sflag:s9] =	ssyncadd.s32 $0xFFFFC180  }
0x17: {  	[spmem:s12], [sflag:s11] =	dma.local [hbm:s5], $0x2780  }
0x18: {  	_ =	swait.ge [sflag:s9], $0x2780  }
0x19: {  	[sflag:s9] =	ssyncset.done $0x0  }
0x1a: {  	[sflag:s9] =	ssyncadd.s32 $0xFFFFD880  }
0x1b: {  	s15 =	simm.s32 $0x0;
	[bflag:$0x0] =	sbarrier.arrive $0xFFFF  }
0x1c: {  	[spmem:s1] =	stream.indirect.scatter.add.f32 [tilespmem:s10], [sflag:$0x1], $0x80, s15, s13, $0xb8;
	[tilespmem:$0x1A400] =	vst v63  }
0x1d: {  	_ =	swait.ge [sflag:s9], $0x3E80  }
0x1e: {  	s15 =	simm.s32 $0x200;
	[sflag:s9] =	ssyncset.done $0x0  }
.LBB2_2:
0x1f: {  	s16 =	sshra.s32 s15, $0x2;
	[sflag:s9] =	ssyncadd.s32 $0xFFFFC180;
	p0 =	sne.s32 s15, $0x9E00  }
0x20: {  	[spmem:s1] =	stream.indirect.scatter.add.f32 [tilespmem:s10], [sflag:$0x1], $0x80, s16, s13, $0xb8;
	[tilespmem:$0x1A400] =	vst v63  }
.Ltmp0:
0x21: {  	_ = 	snop;
	(pc) =	sbr.rel @p0 .LBB2_2-.Ltmp0, $4  }
0x22: {  	_ = 	snop  }
0x23: {  	s15 =	sadd.s32 $0x200, s15  }
0x24: {  	_ =	swait.ge [sflag:s9], $0x3E80  }
0x25: {  	[sflag:s9] =	ssyncset.done $0x0  }
0x26: {  	s14 =	sadd.s32 $0x1, s14  }
0x27: {  	[sflag:s9] =	ssyncadd.s32 $0xFFFFC180;
	p0 =	sne.s32 s14, s8  }
.Ltmp1:
0x28: {  	[bflag:$0x0] =	sbarrier.arrive $0xFFFF;
	(pc) =	sbr.rel @p0 .LBB2_1-.Ltmp1, $4  }
0x29: {  	[hbm:s7], [sflag:s11] =	dma.local [spmem:s12], $0x2780  }
0x2a: {  	_ =	swait.ge [sflag:s9], $0x2780  }
0x2b: {  	[sflag:s9] =	ssyncset.done $0x0  }
0x2c: {  	[sflag:s9] =	ssyncadd.s32 $0xFFFFD880  }
0x2d: {  	_ =	sfence.sel $0x180000  }
0x2e: {  	[bflag:$0x0] =	sbarrier.arrive $0xFFFF  }
0x2f: {  	p0 =	sne.s32 s2, $0x0;
	_ =	strace $0x90000047  }
0x30: {  	s0 =	sadd.s32 @!p0 $0x100000, s0;
	[bflag:$0x2] =	sbarrier.arrive $0xFFFF  }
0x31: {  	[sflag:s0] =	ssyncadd.tile.s32 @!p0 $0x1;
	_ =	shalt  }
.Lfunc_end2:
_tile_overlayer_lowered:
.L_overlay_start_2:
0x32: {  	(tag) =	ssettag $0x2  }
0x33: {  	s0 =	rddreg [dreg:$0x0];
	s2 =	stileid.u32  }
0x34: {  	s1 =	rddreg [dreg:$0x1];
	p0 =	sne.s32 s2, $0x0  }
0x35: {  	s3 =	rddreg [dreg:$0x2];
	[bflag:$0x3] =	sbarrier.arrive $0xFFFF;
	s2 =	simm.s32 @!p0 $0x1C01  }
0x36: {  	[timem:s3], [sflag:s2] =	dma.local @!p0 [hbm:s0], s1  }
0x37: {  	s0 =	simm.s32 @!p0 $0x1  }
0x38: {  	_ =	swait.ge @!p0 [sflag:s0], s1  }
0x39: {  	s1 =	ssub.s32 @!p0 $0x0, s1;
	[sflag:s0] =	ssyncset.done @!p0 $0x0  }
0x3a: {  	[sflag:s0] =	ssyncadd.s32 @!p0 s1  }
0x3b: {  	[bflag:$0x3] =	sbarrier.arrive $0xFFFF  }
0x3c: {  	_ =	shalt  }

</sc_bundles>
